<compile_context>
chip_gen: v7x
topology: tpu7x:2x2x1
jax: 0.10.2.dev20260603
libtpu: 0.0.44.dev20260713+nightly
codegen_flags: <defaults>
</compile_context>

<pallas_src>
import functools

import jax
import jax.numpy as jnp
from jax import lax
from jax.experimental import pallas as pl
from jax.experimental.pallas import tpu as pltpu
from jax.experimental.pallas import tpu_sc as plsc

_N = 10000
_NP = 10240
_E = 320000
_D = 128
_C = 128
_ALPHA = 0.2
_NC = 2
_NS = 16
_NW = _NC * _NS
_CH = 128
_NCHUNK = _E // _CH
_NA = 10112
_RPT = _NA // _NS

_DCF = _NCHUNK // _NS
_DCX = _NCHUNK - _DCF * _NS

_vmesh = plsc.VectorSubcoreMesh(core_axis_name="c", subcore_axis_name="s")


@functools.partial(
    pl.kernel,
    out_type=jax.ShapeDtypeStruct((2, _NS, _NP), jnp.int32),
    mesh=_vmesh,
    scratch_types=[
        pltpu.VMEM((2, (_DCF + 1) * _CH), jnp.int32),
        pltpu.VMEM((_NP,), jnp.int32),
    ],
    compiler_params=pltpu.CompilerParams(needs_layout_passes=False),
)
def _degrees(edge_hbm, deg_out, idx_v, hist_v):
    cid = lax.axis_index("c")
    sid = lax.axis_index("s")
    col0 = _DCF * sid + jnp.minimum(sid, _DCX)
    ones = jnp.ones((16,), jnp.int32)
    zeros = jnp.zeros((16,), jnp.int32)

    pltpu.sync_copy(edge_hbm.at[:, pl.ds(col0 * _CH, _DCF * _CH)],
                    idx_v.at[:, pl.ds(0, _DCF * _CH)])

    @pl.when(sid < _DCX)
    def _extra():
        pltpu.sync_copy(edge_hbm.at[:, pl.ds((col0 + _DCF) * _CH, _CH)],
                        idx_v.at[:, pl.ds(_DCF * _CH, _CH)])

    ngrp4 = (_DCF * _CH // 64) + jnp.where(sid < _DCX, _CH // 64, 0)

    def _zero(i, carry):
        for u in range(8):
            hist_v[pl.ds((i * 8 + u) * 16, 16)] = zeros
        return carry

    lax.fori_loop(0, _NP // 128, _zero, None)

    def _acc(i, carry):
        for u in range(4):
            v = idx_v[cid, pl.ds((i * 4 + u) * 16, 16)]
            plsc.addupdate_scatter(hist_v, [v], ones)
        return carry

    lax.fori_loop(0, ngrp4, _acc, None)
    pltpu.sync_copy(hist_v, deg_out.at[cid, sid])


@functools.partial(
    pl.kernel,
    out_type=jax.ShapeDtypeStruct((_NC, _NA, _D), jnp.float32),
    mesh=_vmesh,
    scratch_types=[
        pltpu.VMEM_SHARED((_NA, _D), jnp.float32),
        pltpu.VMEM((4, 2, _CH), jnp.int32),
        pltpu.VMEM((3, _CH, _D), jnp.float32),
        pltpu.SemaphoreType.DMA((4,)),
        pltpu.SemaphoreType.DMA((3,)),
        pltpu.SemaphoreType.DMA((3,)),
    ],
)
def _propagate(feat_hbm, edge_hbm, agg_out,
               agg_sh, eidx_v, rows_v, isems, gsems, ssems):
    cid = lax.axis_index("c")
    sid = lax.axis_index("s")
    wid = sid * _NC + cid

    zeros = jnp.zeros((16,), jnp.float32)

    nfull = _NCHUNK // _NW
    extra = _NCHUNK - nfull * _NW
    nmine = nfull + (wid < extra).astype(jnp.int32)

    def _idx_dma(i, slot):
        eb = (wid + i * _NW) * _CH
        return pltpu.make_async_copy(edge_hbm.at[:, pl.ds(eb, _CH)],
                                     eidx_v.at[slot], isems.at[slot])

    def _scatter_dma(i, rslot):
        return pltpu.make_async_copy(
            rows_v.at[rslot], agg_sh.at[eidx_v.at[lax.rem(i, 4), 1]],
            ssems.at[rslot])

    pltpu.sync_copy(edge_hbm.at[:, pl.ds(wid * _CH, _CH)], eidx_v.at[0])
    pltpu.async_copy(feat_hbm.at[eidx_v.at[0, 0]], rows_v.at[0], gsems.at[0])

    @pl.when(1 < nmine)
    def _pro1():
        pltpu.sync_copy(edge_hbm.at[:, pl.ds((wid + _NW) * _CH, _CH)],
                        eidx_v.at[1])

    def _zrow(r, carry):
        for c8 in range(_D // 16):
            rows_v[2, r, pl.ds(c8 * 16, 16)] = zeros
        return carry

    lax.fori_loop(0, _CH, _zrow, None)

    tile_base = sid * _RPT
    for j in range(_RPT // _CH):
        pltpu.sync_copy(rows_v.at[2], agg_sh.at[pl.ds(tile_base + j * _CH, _CH)])
    _rtail = _RPT - (_RPT // _CH) * _CH
    if _rtail:
        pltpu.sync_copy(
            rows_v.at[2, pl.ds(0, _rtail)],
            agg_sh.at[pl.ds(tile_base + (_RPT // _CH) * _CH, _rtail)])
    plsc.subcore_barrier()

    def _chunk(i, carry):
        slot = lax.rem(i, 3)
        nslot = lax.rem(i + 1, 3)
        islot2 = lax.rem(i + 2, 4)
        islot1 = lax.rem(i + 1, 4)

        @pl.when(i >= 2)
        def _drain_scatter():
            _scatter_dma(i + 2, nslot).wait()

        @pl.when(i + 2 < nmine)
        def _issue_idx():
            _idx_dma(i + 2, islot2).start()

        @pl.when((i + 1 < nmine) & (i + 1 >= 2))
        def _wait_idx():
            _idx_dma(i + 1, islot1).wait()

        @pl.when(i + 1 < nmine)
        def _issue_gather():
            pltpu.async_copy(feat_hbm.at[eidx_v.at[islot1, 0]],
                             rows_v.at[nslot], gsems.at[nslot])

        pltpu.make_async_copy(feat_hbm.at[eidx_v.at[lax.rem(i, 4), 0]],
                              rows_v.at[slot], gsems.at[slot]).wait()
        _scatter_dma(i, slot).start(add=True)
        return carry

    lax.fori_loop(0, nmine, _chunk, None)

    @pl.when(nmine >= 2)
    def _ep0():
        _scatter_dma(nmine + 2, lax.rem(nmine + 1, 3)).wait()

    _scatter_dma(nmine + 3, lax.rem(nmine + 2, 3)).wait()
    plsc.subcore_barrier()
    pltpu.sync_copy(agg_sh.at[pl.ds(tile_base, _RPT)],
                    agg_out.at[cid, pl.ds(tile_base, _RPT)])


_BM = 2048


def _matmul_body(x_ref, w_ref, b_ref, deg_ref, h0_ref, feat_ref):
    h0 = lax.dot_general(x_ref[...], w_ref[...], (((1,), (1,)), ((), ())),
                         preferred_element_type=jnp.float32) + b_ref[...]
    deg = jnp.sum(deg_ref[0], axis=0)
    norm = lax.rsqrt(jnp.maximum(deg, 1).astype(jnp.float32))
    h0_ref[...] = h0
    feat_ref[...] = h0 * norm[:, None]


def _combine_body(h0_ref, agg_ref, deg_ref, out_ref):
    agg = agg_ref[0, :, :] + agg_ref[1, :, :]
    deg = jnp.sum(deg_ref[0], axis=0)
    norm = lax.rsqrt(jnp.maximum(deg, 1).astype(jnp.float32))
    out_ref[...] = (1.0 - _ALPHA) * agg * norm[:, None] + _ALPHA * h0_ref[...]


_matmul = pl.pallas_call(
    _matmul_body,
    grid=(_NP // _BM,),
    in_specs=[
        pl.BlockSpec((_BM, _D), lambda i: (i, 0)),
        pl.BlockSpec((_C, _D), lambda i: (0, 0)),
        pl.BlockSpec((1, _C), lambda i: (0, 0)),
        pl.BlockSpec((1, _NS, _BM), lambda i: (0, 0, i)),
    ],
    out_specs=[
        pl.BlockSpec((_BM, _C), lambda i: (i, 0)),
        pl.BlockSpec((_BM, _C), lambda i: (i, 0)),
    ],
    out_shape=[
        jax.ShapeDtypeStruct((_N, _C), jnp.float32),
        jax.ShapeDtypeStruct((_N, _C), jnp.float32),
    ],
)

_combine = pl.pallas_call(
    _combine_body,
    grid=(_NP // _BM,),
    in_specs=[
        pl.BlockSpec((_BM, _C), lambda i: (i, 0)),
        pl.BlockSpec((_NC, _BM, _C), lambda i: (0, i, 0)),
        pl.BlockSpec((1, _NS, _BM), lambda i: (1, 0, i)),
    ],
    out_specs=pl.BlockSpec((_BM, _C), lambda i: (i, 0)),
    out_shape=jax.ShapeDtypeStruct((_N, _C), jnp.float32),
)


def kernel(in_feat, edge_index, W, b):
    deg = _degrees(edge_index)
    h0, feat = _matmul(in_feat, W, b.reshape(1, _C), deg)
    agg = _propagate(feat, edge_index)
    return _combine(h0, agg, deg)

# --- scband reference (transcript-rebuilt; emitter-appended) ---
"""Pipeline reference for scband-appnp-29506425323819 (READ-ONLY COPY).

The authoritative reference and input builder live on the scoring server;
editing this copy changes nothing except your own understanding.
"""

import jax, jax.numpy as jnp
import numpy as np

N = 10000
E = 320000
D = 128
C = 128
ALPHA = 0.2


def setup_inputs(seed: int = 0) -> dict:
    key = jax.random.key(seed)
    k1, k2, k3, k4 = jax.random.split(key, 4)
    x = jax.random.normal(k1, (N, D), dtype=jnp.float32)
    edge_index = jax.random.randint(k2, (2, E), 0, N)
    # Linear layer params (torch nn.Linear: W [out, in], b [out])
    bound = 1.0 / np.sqrt(D)
    W = jax.random.uniform(k3, (C, D), minval=-bound, maxval=bound, dtype=jnp.float32)
    b = jax.random.uniform(k4, (C,), minval=-bound, maxval=bound, dtype=jnp.float32)
    return {"in_feat": x, "edge_index": edge_index, "W": W, "b": b}


def reference(in_feat, edge_index, W, b):
    # MLP: h0 = Linear(in_feat)
    h0 = in_feat @ W.T + b
    src = edge_index[0]
    dst = edge_index[1]
    # DGL APPNPConv, k=1, alpha=0.2, symmetric normalization
    out_deg = jnp.maximum(jnp.bincount(src, length=N), 1).astype(h0.dtype)
    norm_src = jnp.power(out_deg, -0.5)
    feat = h0 * norm_src[:, None]
    # message passing: copy_u + sum reduce (gather + scatter-add)
    msgs = jnp.take(feat, src, axis=0)
    agg = jax.ops.segment_sum(msgs, dst, num_segments=N)
    in_deg = jnp.maximum(jnp.bincount(dst, length=N), 1).astype(h0.dtype)
    norm_dst = jnp.power(in_deg, -0.5)
    agg = agg * norm_dst[:, None]
    h = (1.0 - ALPHA) * agg + ALPHA * h0
    return h

if __name__ == "__main__":
    import jax
    _d = setup_inputs()
    print(jax.jit(kernel)(*tuple(_d.values())))

</pallas_src>

<mosaic_0001>
#map = affine_map<(d0, d1) -> (0, 0)>
#map1 = affine_map<(d0, d1) -> (0, 0, 0)>
module attributes {stable_mosaic.version = 14 : i64} {
  func.func @_degrees(%arg0: i32, %arg1: i32, %arg2: memref<2x320000xi32, #tpu.memory_space<hbm>>, %arg3: memref<2x16x10240xi32, #tpu.memory_space<hbm>>, %arg4: memref<2x20096xi32, #tpu.memory_space<vmem>>, %arg5: memref<10240xi32, #tpu.memory_space<vmem>>) attributes {dimension_semantics = [#tpu.dimension_semantics<core_parallel>, #tpu.dimension_semantics<subcore_parallel>], iteration_bounds = array<i64: 2, 16>, scalar_prefetch = 0 : i64, scratch_operands = 2 : i64, tpu.core_type = #tpu.core_type<sc_vector_subcore>, window_params = [{transform_indices = #map}, {transform_indices = #map1}]} {
    %mul3A = arith.constant 156 : i32
    %mul3A_0 = arith.muli %mul3A, %arg1 : i32
    %min3A = arith.constant 4 : i32
    %min3A_1 = arith.minsi %arg1, %min3A : i32
    %add3A = arith.addi %mul3A_0, %min3A_1 : i32
    %broadcast_in_dim3A = arith.constant 1 : i32
    %broadcast_in_dim3A_2 = vector.broadcast %broadcast_in_dim3A : i32 to vector<16xi32>
    %broadcast_in_dim3A_3 = arith.constant 0 : i32
    %broadcast_in_dim3A_4 = vector.broadcast %broadcast_in_dim3A_3 : i32 to vector<16xi32>
    %mul3A_5 = arith.constant 128 : i32
    %mul3A_6 = arith.muli %add3A, %mul3A_5 : i32
    "tpu.region"() ({
      %run_scoped3A = tpu.sem_alloc : memref<!tpu.dma_semaphore, #tpu.memory_space<semaphore_mem>>
      %dma_start3A = arith.constant 0 : i32
      %dma_start3A_26 = arith.constant 0 : i32
      %dma_start3A_27 = tpu.memref_slice %arg4[%dma_start3A, %dma_start3A_26] : memref<2x20096xi32, #tpu.memory_space<vmem>> -> memref<2x19968xi32, #tpu.memory_space<vmem>>
      %dma_start3A_28 = arith.constant 0 : i32
      %dma_start3A_29 = tpu.memref_slice %arg2[%dma_start3A_28, %mul3A_6] : memref<2x320000xi32, #tpu.memory_space<hbm>> -> memref<2x19968xi32, #tpu.memory_space<hbm>>
      %dma_start3A_30 = arith.constant 0 : i32
      %dma_start3A_31 = arith.constant 0 : i32
      %dma_start3A_32 = tpu.memref_slice %arg4[%dma_start3A_30, %dma_start3A_31] : memref<2x20096xi32, #tpu.memory_space<vmem>> -> memref<2x19968xi32, #tpu.memory_space<vmem>>
      %dma_start3A_33 = arith.constant 0 : i32
      %dma_start3A_34 = tpu.memref_slice %arg2[%dma_start3A_33, %mul3A_6] : memref<2x320000xi32, #tpu.memory_space<hbm>> -> memref<2x19968xi32, #tpu.memory_space<hbm>>
      tpu.enqueue_dma source(%dma_start3A_34 : memref<2x19968xi32, #tpu.memory_space<hbm>>) target(%dma_start3A_32 : memref<2x19968xi32, #tpu.memory_space<vmem>>) target_semaphore(%run_scoped3A : memref<!tpu.dma_semaphore, #tpu.memory_space<semaphore_mem>>)
      %dma_wait3A = arith.constant 0 : i32
      %dma_wait3A_35 = arith.constant 0 : i32
      %dma_wait3A_36 = tpu.memref_slice %arg4[%dma_wait3A, %dma_wait3A_35] : memref<2x20096xi32, #tpu.memory_space<vmem>> -> memref<2x19968xi32, #tpu.memory_space<vmem>>
      %dma_wait3A_37 = arith.constant 0 : i32
      %dma_wait3A_38 = tpu.memref_slice %arg2[%dma_wait3A_37, %mul3A_6] : memref<2x320000xi32, #tpu.memory_space<hbm>> -> memref<2x19968xi32, #tpu.memory_space<hbm>>
      %dma_wait3A_39 = arith.constant 0 : i32
      %dma_wait3A_40 = arith.constant 0 : i32
      %dma_wait3A_41 = tpu.memref_slice %arg4[%dma_wait3A_39, %dma_wait3A_40] : memref<2x20096xi32, #tpu.memory_space<vmem>> -> memref<2x19968xi32, #tpu.memory_space<vmem>>
      %dma_wait3A_42 = arith.constant 0 : i32
      %dma_wait3A_43 = tpu.memref_slice %arg2[%dma_wait3A_42, %mul3A_6] : memref<2x320000xi32, #tpu.memory_space<hbm>> -> memref<2x19968xi32, #tpu.memory_space<hbm>>
      tpu.wait_dma2 semaphore(%run_scoped3A : memref<!tpu.dma_semaphore, #tpu.memory_space<semaphore_mem>>) src(%dma_wait3A_43 : memref<2x19968xi32, #tpu.memory_space<hbm>>) dst(%dma_wait3A_41 : memref<2x19968xi32, #tpu.memory_space<vmem>>)
      tpu.yield
    }) : () -> ()
    %lt3A = arith.constant 4 : i32
    %lt3A_7 = arith.cmpi slt, %arg1, %lt3A : i32
    %convert_element_type3A = arith.extui %lt3A_7 : i1 to i32
    %cond3A = arith.constant 0 : i32
    %cond3A_8 = arith.cmpi ne, %convert_element_type3A, %cond3A : i32
    scf.if %cond3A_8 {
      %add3A_26 = arith.constant 156 : i32
      %add3A_27 = arith.addi %add3A, %add3A_26 : i32
      %mul3A_28 = arith.constant 128 : i32
      %mul3A_29 = arith.muli %add3A_27, %mul3A_28 : i32
      "tpu.region"() ({
        %run_scoped3A = tpu.sem_alloc : memref<!tpu.dma_semaphore, #tpu.memory_space<semaphore_mem>>
        %dma_start3A = arith.constant 0 : i32
        %dma_start3A_30 = arith.constant 19968 : i32
        %dma_start3A_31 = tpu.memref_slice %arg4[%dma_start3A, %dma_start3A_30] : memref<2x20096xi32, #tpu.memory_space<vmem>> -> memref<2x128xi32, #tpu.memory_space<vmem>>
        %dma_start3A_32 = arith.constant 0 : i32
        %dma_start3A_33 = tpu.memref_slice %arg2[%dma_start3A_32, %mul3A_29] : memref<2x320000xi32, #tpu.memory_space<hbm>> -> memref<2x128xi32, #tpu.memory_space<hbm>>
        %dma_start3A_34 = arith.constant 0 : i32
        %dma_start3A_35 = arith.constant 19968 : i32
        %dma_start3A_36 = tpu.memref_slice %arg4[%dma_start3A_34, %dma_start3A_35] : memref<2x20096xi32, #tpu.memory_space<vmem>> -> memref<2x128xi32, #tpu.memory_space<vmem>>
        %dma_start3A_37 = arith.constant 0 : i32
        %dma_start3A_38 = tpu.memref_slice %arg2[%dma_start3A_37, %mul3A_29] : memref<2x320000xi32, #tpu.memory_space<hbm>> -> memref<2x128xi32, #tpu.memory_space<hbm>>
        tpu.enqueue_dma source(%dma_start3A_38 : memref<2x128xi32, #tpu.memory_space<hbm>>) target(%dma_start3A_36 : memref<2x128xi32, #tpu.memory_space<vmem>>) target_semaphore(%run_scoped3A : memref<!tpu.dma_semaphore, #tpu.memory_space<semaphore_mem>>)
        %dma_wait3A = arith.constant 0 : i32
        %dma_wait3A_39 = arith.constant 19968 : i32
        %dma_wait3A_40 = tpu.memref_slice %arg4[%dma_wait3A, %dma_wait3A_39] : memref<2x20096xi32, #tpu.memory_space<vmem>> -> memref<2x128xi32, #tpu.memory_space<vmem>>
        %dma_wait3A_41 = arith.constant 0 : i32
        %dma_wait3A_42 = tpu.memref_slice %arg2[%dma_wait3A_41, %mul3A_29] : memref<2x320000xi32, #tpu.memory_space<hbm>> -> memref<2x128xi32, #tpu.memory_space<hbm>>
        %dma_wait3A_43 = arith.constant 0 : i32
        %dma_wait3A_44 = arith.constant 19968 : i32
        %dma_wait3A_45 = tpu.memref_slice %arg4[%dma_wait3A_43, %dma_wait3A_44] : memref<2x20096xi32, #tpu.memory_space<vmem>> -> memref<2x128xi32, #tpu.memory_space<vmem>>
        %dma_wait3A_46 = arith.constant 0 : i32
        %dma_wait3A_47 = tpu.memref_slice %arg2[%dma_wait3A_46, %mul3A_29] : memref<2x320000xi32, #tpu.memory_space<hbm>> -> memref<2x128xi32, #tpu.memory_space<hbm>>
        tpu.wait_dma2 semaphore(%run_scoped3A : memref<!tpu.dma_semaphore, #tpu.memory_space<semaphore_mem>>) src(%dma_wait3A_47 : memref<2x128xi32, #tpu.memory_space<hbm>>) dst(%dma_wait3A_45 : memref<2x128xi32, #tpu.memory_space<vmem>>)
        tpu.yield
      }) : () -> ()
    } else {
    }
    %lt3A_9 = arith.constant 4 : i32
    %lt3A_10 = arith.cmpi slt, %arg1, %lt3A_9 : i32
    %jit3A = arith.constant 2 : i32
    %jit3A_11 = arith.constant 0 : i32
    %select_n3A = arith.select %lt3A_10, %jit3A, %jit3A_11 : i32
    %add3A_12 = arith.constant 312 : i32
    %add3A_13 = arith.addi %add3A_12, %select_n3A : i32
    %scan3A = arith.constant 0 : i32
    %scan3A_14 = arith.constant 80 : i32
    %scan3A_15 = arith.addi %scan3A, %scan3A_14 : i32
    %scan3A_16 = arith.constant 1 : i32
    scf.for %scan3A_26 = %scan3A to %scan3A_15 step %scan3A_16  : i32 {
      %mul3A_27 = arith.constant 8 : i32
      %mul3A_28 = arith.muli %scan3A_26, %mul3A_27 : i32
      %add3A_29 = arith.constant 0 : i32
      %add3A_30 = arith.addi %mul3A_28, %add3A_29 : i32
      %mul3A_31 = arith.constant 16 : i32
      %mul3A_32 = arith.muli %add3A_30, %mul3A_31 : i32
      %swap3A = arith.index_cast %mul3A_32 : i32 to index
      %swap3A_33 = tpu.vector_load %arg5[%swap3A] {strides = array<i32>} : memref<10240xi32, #tpu.memory_space<vmem>>, vector<16xi32>,
      tpu.vector_store %arg5[%swap3A], %broadcast_in_dim3A_4 {strides = array<i32>} : memref<10240xi32, #tpu.memory_space<vmem>>, vector<16xi32>,
      %mul3A_34 = arith.constant 8 : i32
      %mul3A_35 = arith.muli %scan3A_26, %mul3A_34 : i32
      %add3A_36 = arith.constant 1 : i32
      %add3A_37 = arith.addi %mul3A_35, %add3A_36 : i32
      %mul3A_38 = arith.constant 16 : i32
      %mul3A_39 = arith.muli %add3A_37, %mul3A_38 : i32
      %swap3A_40 = arith.index_cast %mul3A_39 : i32 to index
      %swap3A_41 = tpu.vector_load %arg5[%swap3A_40] {strides = array<i32>} : memref<10240xi32, #tpu.memory_space<vmem>>, vector<16xi32>,
      tpu.vector_store %arg5[%swap3A_40], %broadcast_in_dim3A_4 {strides = array<i32>} : memref<10240xi32, #tpu.memory_space<vmem>>, vector<16xi32>,
      %mul3A_42 = arith.constant 8 : i32
      %mul3A_43 = arith.muli %scan3A_26, %mul3A_42 : i32
      %add3A_44 = arith.constant 2 : i32
      %add3A_45 = arith.addi %mul3A_43, %add3A_44 : i32
      %mul3A_46 = arith.constant 16 : i32
      %mul3A_47 = arith.muli %add3A_45, %mul3A_46 : i32
      %swap3A_48 = arith.index_cast %mul3A_47 : i32 to index
      %swap3A_49 = tpu.vector_load %arg5[%swap3A_48] {strides = array<i32>} : memref<10240xi32, #tpu.memory_space<vmem>>, vector<16xi32>,
      tpu.vector_store %arg5[%swap3A_48], %broadcast_in_dim3A_4 {strides = array<i32>} : memref<10240xi32, #tpu.memory_space<vmem>>, vector<16xi32>,
      %mul3A_50 = arith.constant 8 : i32
      %mul3A_51 = arith.muli %scan3A_26, %mul3A_50 : i32
      %add3A_52 = arith.constant 3 : i32
      %add3A_53 = arith.addi %mul3A_51, %add3A_52 : i32
      %mul3A_54 = arith.constant 16 : i32
      %mul3A_55 = arith.muli %add3A_53, %mul3A_54 : i32
      %swap3A_56 = arith.index_cast %mul3A_55 : i32 to index
      %swap3A_57 = tpu.vector_load %arg5[%swap3A_56] {strides = array<i32>} : memref<10240xi32, #tpu.memory_space<vmem>>, vector<16xi32>,
      tpu.vector_store %arg5[%swap3A_56], %broadcast_in_dim3A_4 {strides = array<i32>} : memref<10240xi32, #tpu.memory_space<vmem>>, vector<16xi32>,
      %mul3A_58 = arith.constant 8 : i32
      %mul3A_59 = arith.muli %scan3A_26, %mul3A_58 : i32
      %add3A_60 = arith.constant 4 : i32
      %add3A_61 = arith.addi %mul3A_59, %add3A_60 : i32
      %mul3A_62 = arith.constant 16 : i32
      %mul3A_63 = arith.muli %add3A_61, %mul3A_62 : i32
      %swap3A_64 = arith.index_cast %mul3A_63 : i32 to index
      %swap3A_65 = tpu.vector_load %arg5[%swap3A_64] {strides = array<i32>} : memref<10240xi32, #tpu.memory_space<vmem>>, vector<16xi32>,
      tpu.vector_store %arg5[%swap3A_64], %broadcast_in_dim3A_4 {strides = array<i32>} : memref<10240xi32, #tpu.memory_space<vmem>>, vector<16xi32>,
      %mul3A_66 = arith.constant 8 : i32
      %mul3A_67 = arith.muli %scan3A_26, %mul3A_66 : i32
      %add3A_68 = arith.constant 5 : i32
      %add3A_69 = arith.addi %mul3A_67, %add3A_68 : i32
      %mul3A_70 = arith.constant 16 : i32
      %mul3A_71 = arith.muli %add3A_69, %mul3A_70 : i32
      %swap3A_72 = arith.index_cast %mul3A_71 : i32 to index
      %swap3A_73 = tpu.vector_load %arg5[%swap3A_72] {strides = array<i32>} : memref<10240xi32, #tpu.memory_space<vmem>>, vector<16xi32>,
      tpu.vector_store %arg5[%swap3A_72], %broadcast_in_dim3A_4 {strides = array<i32>} : memref<10240xi32, #tpu.memory_space<vmem>>, vector<16xi32>,
      %mul3A_74 = arith.constant 8 : i32
      %mul3A_75 = arith.muli %scan3A_26, %mul3A_74 : i32
      %add3A_76 = arith.constant 6 : i32
      %add3A_77 = arith.addi %mul3A_75, %add3A_76 : i32
      %mul3A_78 = arith.constant 16 : i32
      %mul3A_79 = arith.muli %add3A_77, %mul3A_78 : i32
      %swap3A_80 = arith.index_cast %mul3A_79 : i32 to index
      %swap3A_81 = tpu.vector_load %arg5[%swap3A_80] {strides = array<i32>} : memref<10240xi32, #tpu.memory_space<vmem>>, vector<16xi32>,
      tpu.vector_store %arg5[%swap3A_80], %broadcast_in_dim3A_4 {strides = array<i32>} : memref<10240xi32, #tpu.memory_space<vmem>>, vector<16xi32>,
      %mul3A_82 = arith.constant 8 : i32
      %mul3A_83 = arith.muli %scan3A_26, %mul3A_82 : i32
      %add3A_84 = arith.constant 7 : i32
      %add3A_85 = arith.addi %mul3A_83, %add3A_84 : i32
      %mul3A_86 = arith.constant 16 : i32
      %mul3A_87 = arith.muli %add3A_85, %mul3A_86 : i32
      %swap3A_88 = arith.index_cast %mul3A_87 : i32 to index
      %swap3A_89 = tpu.vector_load %arg5[%swap3A_88] {strides = array<i32>} : memref<10240xi32, #tpu.memory_space<vmem>>, vector<16xi32>,
      tpu.vector_store %arg5[%swap3A_88], %broadcast_in_dim3A_4 {strides = array<i32>} : memref<10240xi32, #tpu.memory_space<vmem>>, vector<16xi32>,
    }
    %scan3A_17 = arith.constant 80 : i32
    %while3A = arith.constant 0 : i32
    %while3A_18 = arith.subi %add3A_13, %while3A : i32
    %while3A_19 = arith.addi %while3A, %while3A_18 : i32
    %while3A_20 = arith.constant 1 : i32
    %while3A_21 = arith.divsi %while3A_18, %while3A_20 : i32
    %while3A_22 = arith.muli %while3A_21, %while3A_20 : i32
    %while3A_23 = arith.addi %while3A, %while3A_22 : i32
    %while3A_24 = arith.constant 1 : i32
    scf.for %while3A_26 = %while3A to %while3A_23 step %while3A_24  : i32 {
      %mul3A_27 = arith.constant 4 : i32
      %mul3A_28 = arith.muli %while3A_26, %mul3A_27 : i32
      %add3A_29 = arith.constant 0 : i32
      %add3A_30 = arith.addi %mul3A_28, %add3A_29 : i32
      %mul3A_31 = arith.constant 16 : i32
      %mul3A_32 = arith.muli %add3A_30, %mul3A_31 : i32
      %get3A = arith.index_cast %arg0 : i32 to index
      %get3A_33 = arith.index_cast %mul3A_32 : i32 to index
      %get3A_34 = tpu.vector_load %arg4[%get3A, %get3A_33] {strides = array<i32>} : memref<2x20096xi32, #tpu.memory_space<vmem>>, vector<16xi32>,
      tpu.vector_store_idx %arg5[%get3A_34], %broadcast_in_dim3A_2 {add = true} : memref<10240xi32, #tpu.memory_space<vmem>>[vector<16xi32>], vector<16xi32>,
      %mul3A_35 = arith.constant 4 : i32
      %mul3A_36 = arith.muli %while3A_26, %mul3A_35 : i32
      %add3A_37 = arith.constant 1 : i32
      %add3A_38 = arith.addi %mul3A_36, %add3A_37 : i32
      %mul3A_39 = arith.constant 16 : i32
      %mul3A_40 = arith.muli %add3A_38, %mul3A_39 : i32
      %get3A_41 = arith.index_cast %arg0 : i32 to index
      %get3A_42 = arith.index_cast %mul3A_40 : i32 to index
      %get3A_43 = tpu.vector_load %arg4[%get3A_41, %get3A_42] {strides = array<i32>} : memref<2x20096xi32, #tpu.memory_space<vmem>>, vector<16xi32>,
      tpu.vector_store_idx %arg5[%get3A_43], %broadcast_in_dim3A_2 {add = true} : memref<10240xi32, #tpu.memory_space<vmem>>[vector<16xi32>], vector<16xi32>,
      %mul3A_44 = arith.constant 4 : i32
      %mul3A_45 = arith.muli %while3A_26, %mul3A_44 : i32
      %add3A_46 = arith.constant 2 : i32
      %add3A_47 = arith.addi %mul3A_45, %add3A_46 : i32
      %mul3A_48 = arith.constant 16 : i32
      %mul3A_49 = arith.muli %add3A_47, %mul3A_48 : i32
      %get3A_50 = arith.index_cast %arg0 : i32 to index
      %get3A_51 = arith.index_cast %mul3A_49 : i32 to index
      %get3A_52 = tpu.vector_load %arg4[%get3A_50, %get3A_51] {strides = array<i32>} : memref<2x20096xi32, #tpu.memory_space<vmem>>, vector<16xi32>,
      tpu.vector_store_idx %arg5[%get3A_52], %broadcast_in_dim3A_2 {add = true} : memref<10240xi32, #tpu.memory_space<vmem>>[vector<16xi32>], vector<16xi32>,
      %mul3A_53 = arith.constant 4 : i32
      %mul3A_54 = arith.muli %while3A_26, %mul3A_53 : i32
      %add3A_55 = arith.constant 3 : i32
      %add3A_56 = arith.addi %mul3A_54, %add3A_55 : i32
      %mul3A_57 = arith.constant 16 : i32
      %mul3A_58 = arith.muli %add3A_56, %mul3A_57 : i32
      %get3A_59 = arith.index_cast %arg0 : i32 to index
      %get3A_60 = arith.index_cast %mul3A_58 : i32 to index
      %get3A_61 = tpu.vector_load %arg4[%get3A_59, %get3A_60] {strides = array<i32>} : memref<2x20096xi32, #tpu.memory_space<vmem>>, vector<16xi32>,
      tpu.vector_store_idx %arg5[%get3A_61], %broadcast_in_dim3A_2 {add = true} : memref<10240xi32, #tpu.memory_space<vmem>>[vector<16xi32>], vector<16xi32>,
    }
    %while3A_25 = arith.constant 1 : i32
    scf.for %while3A_26 = %while3A_23 to %while3A_19 step %while3A_25  : i32 {
      %mul3A_27 = arith.constant 4 : i32
      %mul3A_28 = arith.muli %while3A_26, %mul3A_27 : i32
      %add3A_29 = arith.constant 0 : i32
      %add3A_30 = arith.addi %mul3A_28, %add3A_29 : i32
      %mul3A_31 = arith.constant 16 : i32
      %mul3A_32 = arith.muli %add3A_30, %mul3A_31 : i32
      %get3A = arith.index_cast %arg0 : i32 to index
      %get3A_33 = arith.index_cast %mul3A_32 : i32 to index
      %get3A_34 = tpu.vector_load %arg4[%get3A, %get3A_33] {strides = array<i32>} : memref<2x20096xi32, #tpu.memory_space<vmem>>, vector<16xi32>,
      tpu.vector_store_idx %arg5[%get3A_34], %broadcast_in_dim3A_2 {add = true} : memref<10240xi32, #tpu.memory_space<vmem>>[vector<16xi32>], vector<16xi32>,
      %mul3A_35 = arith.constant 4 : i32
      %mul3A_36 = arith.muli %while3A_26, %mul3A_35 : i32
      %add3A_37 = arith.constant 1 : i32
      %add3A_38 = arith.addi %mul3A_36, %add3A_37 : i32
      %mul3A_39 = arith.constant 16 : i32
      %mul3A_40 = arith.muli %add3A_38, %mul3A_39 : i32
      %get3A_41 = arith.index_cast %arg0 : i32 to index
      %get3A_42 = arith.index_cast %mul3A_40 : i32 to index
      %get3A_43 = tpu.vector_load %arg4[%get3A_41, %get3A_42] {strides = array<i32>} : memref<2x20096xi32, #tpu.memory_space<vmem>>, vector<16xi32>,
      tpu.vector_store_idx %arg5[%get3A_43], %broadcast_in_dim3A_2 {add = true} : memref<10240xi32, #tpu.memory_space<vmem>>[vector<16xi32>], vector<16xi32>,
      %mul3A_44 = arith.constant 4 : i32
      %mul3A_45 = arith.muli %while3A_26, %mul3A_44 : i32
      %add3A_46 = arith.constant 2 : i32
      %add3A_47 = arith.addi %mul3A_45, %add3A_46 : i32
      %mul3A_48 = arith.constant 16 : i32
      %mul3A_49 = arith.muli %add3A_47, %mul3A_48 : i32
      %get3A_50 = arith.index_cast %arg0 : i32 to index
      %get3A_51 = arith.index_cast %mul3A_49 : i32 to index
      %get3A_52 = tpu.vector_load %arg4[%get3A_50, %get3A_51] {strides = array<i32>} : memref<2x20096xi32, #tpu.memory_space<vmem>>, vector<16xi32>,
      tpu.vector_store_idx %arg5[%get3A_52], %broadcast_in_dim3A_2 {add = true} : memref<10240xi32, #tpu.memory_space<vmem>>[vector<16xi32>], vector<16xi32>,
      %mul3A_53 = arith.constant 4 : i32
      %mul3A_54 = arith.muli %while3A_26, %mul3A_53 : i32
      %add3A_55 = arith.constant 3 : i32
      %add3A_56 = arith.addi %mul3A_54, %add3A_55 : i32
      %mul3A_57 = arith.constant 16 : i32
      %mul3A_58 = arith.muli %add3A_56, %mul3A_57 : i32
      %get3A_59 = arith.index_cast %arg0 : i32 to index
      %get3A_60 = arith.index_cast %mul3A_58 : i32 to index
      %get3A_61 = tpu.vector_load %arg4[%get3A_59, %get3A_60] {strides = array<i32>} : memref<2x20096xi32, #tpu.memory_space<vmem>>, vector<16xi32>,
      tpu.vector_store_idx %arg5[%get3A_61], %broadcast_in_dim3A_2 {add = true} : memref<10240xi32, #tpu.memory_space<vmem>>[vector<16xi32>], vector<16xi32>,
    }
    "tpu.region"() ({
      %run_scoped3A = tpu.sem_alloc : memref<!tpu.dma_semaphore, #tpu.memory_space<semaphore_mem>>
      %dma_start3A = arith.constant 0 : i32
      %dma_start3A_26 = tpu.memref_slice %arg3[%arg0, %arg1, %dma_start3A] : memref<2x16x10240xi32, #tpu.memory_space<hbm>> -> memref<1x1x10240xi32, #tpu.memory_space<hbm>>
      %dma_start3A_27 = tpu.memref_squeeze %dma_start3A_26 : memref<1x1x10240xi32, #tpu.memory_space<hbm>> -> memref<10240xi32, #tpu.memory_space<hbm>>
      %dma_start3A_28 = arith.constant 0 : i32
      %dma_start3A_29 = tpu.memref_slice %arg3[%arg0, %arg1, %dma_start3A_28] : memref<2x16x10240xi32, #tpu.memory_space<hbm>> -> memref<1x1x10240xi32, #tpu.memory_space<hbm>>
      %dma_start3A_30 = tpu.memref_squeeze %dma_start3A_29 : memref<1x1x10240xi32, #tpu.memory_space<hbm>> -> memref<10240xi32, #tpu.memory_space<hbm>>
      tpu.enqueue_dma source(%arg5 : memref<10240xi32, #tpu.memory_space<vmem>>) target(%dma_start3A_30 : memref<10240xi32, #tpu.memory_space<hbm>>) target_semaphore(%run_scoped3A : memref<!tpu.dma_semaphore, #tpu.memory_space<semaphore_mem>>)
      %dma_wait3A = arith.constant 0 : i32
      %dma_wait3A_31 = tpu.memref_slice %arg3[%arg0, %arg1, %dma_wait3A] : memref<2x16x10240xi32, #tpu.memory_space<hbm>> -> memref<1x1x10240xi32, #tpu.memory_space<hbm>>
      %dma_wait3A_32 = tpu.memref_squeeze %dma_wait3A_31 : memref<1x1x10240xi32, #tpu.memory_space<hbm>> -> memref<10240xi32, #tpu.memory_space<hbm>>
      %dma_wait3A_33 = arith.constant 0 : i32
      %dma_wait3A_34 = tpu.memref_slice %arg3[%arg0, %arg1, %dma_wait3A_33] : memref<2x16x10240xi32, #tpu.memory_space<hbm>> -> memref<1x1x10240xi32, #tpu.memory_space<hbm>>
      %dma_wait3A_35 = tpu.memref_squeeze %dma_wait3A_34 : memref<1x1x10240xi32, #tpu.memory_space<hbm>> -> memref<10240xi32, #tpu.memory_space<hbm>>
      tpu.wait_dma2 semaphore(%run_scoped3A : memref<!tpu.dma_semaphore, #tpu.memory_space<semaphore_mem>>) src(%arg5 : memref<10240xi32, #tpu.memory_space<vmem>>) dst(%dma_wait3A_35 : memref<10240xi32, #tpu.memory_space<hbm>>)
      tpu.yield
    }) : () -> ()
    return
  }
}

#map = affine_map<(d0, d1) -> (0, 0)>
#map1 = affine_map<(d0, d1) -> (0, 0, 0)>
module attributes {stable_mosaic.version = 14 : i64} {
  func.func @_propagate(%arg0: i32, %arg1: i32, %arg2: memref<10000x128xf32, #tpu.memory_space<hbm>>, %arg3: memref<2x320000xi32, #tpu.memory_space<hbm>>, %arg4: memref<2x10112x128xf32, #tpu.memory_space<hbm>>, %arg5: memref<10112x128xf32, #tpu.memory_space<vmem_shared>>, %arg6: memref<4x2x128xi32, #tpu.memory_space<vmem>>, %arg7: memref<3x128x128xf32, #tpu.memory_space<vmem>>, %arg8: memref<4x!tpu.dma_semaphore, #tpu.memory_space<semaphore_mem>>, %arg9: memref<3x!tpu.dma_semaphore, #tpu.memory_space<semaphore_mem>>, %arg10: memref<3x!tpu.dma_semaphore, #tpu.memory_space<semaphore_mem>>) attributes {dimension_semantics = [#tpu.dimension_semantics<core_parallel>, #tpu.dimension_semantics<subcore_parallel>], iteration_bounds = array<i64: 2, 16>, scalar_prefetch = 0 : i64, scratch_operands = 6 : i64, tpu.core_type = #tpu.core_type<sc_vector_subcore>, window_params = [{transform_indices = #map}, {transform_indices = #map}, {transform_indices = #map1}]} {
    %mul3A = arith.constant 2 : i32
    %mul3A_0 = arith.muli %arg1, %mul3A : i32
    %add3A = arith.addi %mul3A_0, %arg0 : i32
    %broadcast_in_dim3A = arith.constant 0.000000e+00 : f32
    %broadcast_in_dim3A_1 = vector.broadcast %broadcast_in_dim3A : f32 to vector<16xf32>
    %lt3A = arith.constant 4 : i32
    %lt3A_2 = arith.cmpi slt, %add3A, %lt3A : i32
    %convert_element_type3A = arith.extui %lt3A_2 : i1 to i32
    %add3A_3 = arith.constant 78 : i32
    %add3A_4 = arith.addi %add3A_3, %convert_element_type3A : i32
    %mul3A_5 = arith.constant 128 : i32
    %mul3A_6 = arith.muli %add3A, %mul3A_5 : i32
    %run_scoped3A = arith.constant 0 : i32
    "tpu.region"() ({
      %run_scoped3A_78 = tpu.sem_alloc : memref<!tpu.dma_semaphore, #tpu.memory_space<semaphore_mem>>
      %dma_start3A_79 = arith.constant 0 : i32
      %dma_start3A_80 = arith.constant 0 : i32
      %dma_start3A_81 = tpu.memref_slice %arg6[%run_scoped3A, %dma_start3A_79, %dma_start3A_80] : memref<4x2x128xi32, #tpu.memory_space<vmem>> -> memref<1x2x128xi32, #tpu.memory_space<vmem>>
      %dma_start3A_82 = tpu.memref_squeeze %dma_start3A_81 : memref<1x2x128xi32, #tpu.memory_space<vmem>> -> memref<2x128xi32, #tpu.memory_space<vmem>>
      %dma_start3A_83 = arith.constant 0 : i32
      %dma_start3A_84 = tpu.memref_slice %arg3[%dma_start3A_83, %mul3A_6] : memref<2x320000xi32, #tpu.memory_space<hbm>> -> memref<2x128xi32, #tpu.memory_space<hbm>>
      %dma_start3A_85 = arith.constant 0 : i32
      %dma_start3A_86 = arith.constant 0 : i32
      %dma_start3A_87 = tpu.memref_slice %arg6[%run_scoped3A, %dma_start3A_85, %dma_start3A_86] : memref<4x2x128xi32, #tpu.memory_space<vmem>> -> memref<1x2x128xi32, #tpu.memory_space<vmem>>
      %dma_start3A_88 = tpu.memref_squeeze %dma_start3A_87 : memref<1x2x128xi32, #tpu.memory_space<vmem>> -> memref<2x128xi32, #tpu.memory_space<vmem>>
      %dma_start3A_89 = arith.constant 0 : i32
      %dma_start3A_90 = tpu.memref_slice %arg3[%dma_start3A_89, %mul3A_6] : memref<2x320000xi32, #tpu.memory_space<hbm>> -> memref<2x128xi32, #tpu.memory_space<hbm>>
      tpu.enqueue_dma source(%dma_start3A_90 : memref<2x128xi32, #tpu.memory_space<hbm>>) target(%dma_start3A_88 : memref<2x128xi32, #tpu.memory_space<vmem>>) target_semaphore(%run_scoped3A_78 : memref<!tpu.dma_semaphore, #tpu.memory_space<semaphore_mem>>)
      %dma_wait3A_91 = arith.constant 0 : i32
      %dma_wait3A_92 = arith.constant 0 : i32
      %dma_wait3A_93 = tpu.memref_slice %arg6[%run_scoped3A, %dma_wait3A_91, %dma_wait3A_92] : memref<4x2x128xi32, #tpu.memory_space<vmem>> -> memref<1x2x128xi32, #tpu.memory_space<vmem>>
      %dma_wait3A_94 = tpu.memref_squeeze %dma_wait3A_93 : memref<1x2x128xi32, #tpu.memory_space<vmem>> -> memref<2x128xi32, #tpu.memory_space<vmem>>
      %dma_wait3A_95 = arith.constant 0 : i32
      %dma_wait3A_96 = tpu.memref_slice %arg3[%dma_wait3A_95, %mul3A_6] : memref<2x320000xi32, #tpu.memory_space<hbm>> -> memref<2x128xi32, #tpu.memory_space<hbm>>
      %dma_wait3A_97 = arith.constant 0 : i32
      %dma_wait3A_98 = arith.constant 0 : i32
      %dma_wait3A_99 = tpu.memref_slice %arg6[%run_scoped3A, %dma_wait3A_97, %dma_wait3A_98] : memref<4x2x128xi32, #tpu.memory_space<vmem>> -> memref<1x2x128xi32, #tpu.memory_space<vmem>>
      %dma_wait3A_100 = tpu.memref_squeeze %dma_wait3A_99 : memref<1x2x128xi32, #tpu.memory_space<vmem>> -> memref<2x128xi32, #tpu.memory_space<vmem>>
      %dma_wait3A_101 = arith.constant 0 : i32
      %dma_wait3A_102 = tpu.memref_slice %arg3[%dma_wait3A_101, %mul3A_6] : memref<2x320000xi32, #tpu.memory_space<hbm>> -> memref<2x128xi32, #tpu.memory_space<hbm>>
      tpu.wait_dma2 semaphore(%run_scoped3A_78 : memref<!tpu.dma_semaphore, #tpu.memory_space<semaphore_mem>>) src(%dma_wait3A_102 : memref<2x128xi32, #tpu.memory_space<hbm>>) dst(%dma_wait3A_100 : memref<2x128xi32, #tpu.memory_space<vmem>>)
      tpu.yield
    }) : () -> ()
    %dma_start3A = arith.constant 0 : i32
    %dma_start3A_7 = arith.constant 0 : i32
    %dma_start3A_8 = arith.constant 0 : i32
    %dma_start3A_9 = arith.constant 0 : i32
    %dma_start3A_10 = arith.constant 0 : i32
    %dma_start3A_11 = arith.constant 0 : i32
    %dma_start3A_12 = tpu.memref_slice %arg7[%dma_start3A_8, %dma_start3A_10, %dma_start3A_11] : memref<3x128x128xf32, #tpu.memory_space<vmem>> -> memref<1x128x128xf32, #tpu.memory_space<vmem>>
    %dma_start3A_13 = tpu.memref_squeeze %dma_start3A_12 : memref<1x128x128xf32, #tpu.memory_space<vmem>> -> memref<128x128xf32, #tpu.memory_space<vmem>>
    %dma_start3A_14 = arith.constant 0 : i32
    %dma_start3A_15 = tpu.memref_slice %arg6[%dma_start3A, %dma_start3A_7, %dma_start3A_14] : memref<4x2x128xi32, #tpu.memory_space<vmem>> -> memref<1x1x128xi32, #tpu.memory_space<vmem>>
    %dma_start3A_16 = tpu.memref_squeeze %dma_start3A_15 : memref<1x1x128xi32, #tpu.memory_space<vmem>> -> memref<128xi32, #tpu.memory_space<vmem>>
    %dma_start3A_17 = arith.constant 0 : i32
    %dma_start3A_18 = arith.constant 0 : i32
    %dma_start3A_19 = tpu.memref_slice %arg2[%dma_start3A_17, %dma_start3A_18] : memref<10000x128xf32, #tpu.memory_space<hbm>> -> memref<10000x128xf32, #tpu.memory_space<hbm>>
    %dma_start3A_20 = tpu.memref_slice %arg9[%dma_start3A_9] : memref<3x!tpu.dma_semaphore, #tpu.memory_space<semaphore_mem>> -> memref<1x!tpu.dma_semaphore, #tpu.memory_space<semaphore_mem>>
    %dma_start3A_21 = tpu.memref_squeeze %dma_start3A_20 : memref<1x!tpu.dma_semaphore, #tpu.memory_space<semaphore_mem>> -> memref<!tpu.dma_semaphore, #tpu.memory_space<semaphore_mem>>
    tpu.enqueue_indirect_dma source(%dma_start3A_19 : memref<10000x128xf32, #tpu.memory_space<hbm>>) target(%dma_start3A_13 : memref<128x128xf32, #tpu.memory_space<vmem>>) offsets(%dma_start3A_16 : memref<128xi32, #tpu.memory_space<vmem>>) semaphore(%dma_start3A_21 : memref<!tpu.dma_semaphore, #tpu.memory_space<semaphore_mem>>)
    %gt3A = arith.constant 1 : i32
    %gt3A_22 = arith.cmpi sgt, %add3A_4, %gt3A : i32
    %convert_element_type3A_23 = arith.extui %gt3A_22 : i1 to i32
    %cond3A = arith.constant 0 : i32
    %cond3A_24 = arith.cmpi ne, %convert_element_type3A_23, %cond3A : i32
    scf.if %cond3A_24 {
      %add3A_78 = arith.constant 32 : i32
      %add3A_79 = arith.addi %add3A, %add3A_78 : i32
      %mul3A_80 = arith.constant 128 : i32
      %mul3A_81 = arith.muli %add3A_79, %mul3A_80 : i32
      %run_scoped3A_82 = arith.constant 1 : i32
      "tpu.region"() ({
        %run_scoped3A_83 = tpu.sem_alloc : memref<!tpu.dma_semaphore, #tpu.memory_space<semaphore_mem>>
        %dma_start3A_84 = arith.constant 0 : i32
        %dma_start3A_85 = arith.constant 0 : i32
        %dma_start3A_86 = tpu.memref_slice %arg6[%run_scoped3A_82, %dma_start3A_84, %dma_start3A_85] : memref<4x2x128xi32, #tpu.memory_space<vmem>> -> memref<1x2x128xi32, #tpu.memory_space<vmem>>
        %dma_start3A_87 = tpu.memref_squeeze %dma_start3A_86 : memref<1x2x128xi32, #tpu.memory_space<vmem>> -> memref<2x128xi32, #tpu.memory_space<vmem>>
        %dma_start3A_88 = arith.constant 0 : i32
        %dma_start3A_89 = tpu.memref_slice %arg3[%dma_start3A_88, %mul3A_81] : memref<2x320000xi32, #tpu.memory_space<hbm>> -> memref<2x128xi32, #tpu.memory_space<hbm>>
        %dma_start3A_90 = arith.constant 0 : i32
        %dma_start3A_91 = arith.constant 0 : i32
        %dma_start3A_92 = tpu.memref_slice %arg6[%run_scoped3A_82, %dma_start3A_90, %dma_start3A_91] : memref<4x2x128xi32, #tpu.memory_space<vmem>> -> memref<1x2x128xi32, #tpu.memory_space<vmem>>
        %dma_start3A_93 = tpu.memref_squeeze %dma_start3A_92 : memref<1x2x128xi32, #tpu.memory_space<vmem>> -> memref<2x128xi32, #tpu.memory_space<vmem>>
        %dma_start3A_94 = arith.constant 0 : i32
        %dma_start3A_95 = tpu.memref_slice %arg3[%dma_start3A_94, %mul3A_81] : memref<2x320000xi32, #tpu.memory_space<hbm>> -> memref<2x128xi32, #tpu.memory_space<hbm>>
        tpu.enqueue_dma source(%dma_start3A_95 : memref<2x128xi32, #tpu.memory_space<hbm>>) target(%dma_start3A_93 : memref<2x128xi32, #tpu.memory_space<vmem>>) target_semaphore(%run_scoped3A_83 : memref<!tpu.dma_semaphore, #tpu.memory_space<semaphore_mem>>)
        %dma_wait3A_96 = arith.constant 0 : i32
        %dma_wait3A_97 = arith.constant 0 : i32
        %dma_wait3A_98 = tpu.memref_slice %arg6[%run_scoped3A_82, %dma_wait3A_96, %dma_wait3A_97] : memref<4x2x128xi32, #tpu.memory_space<vmem>> -> memref<1x2x128xi32, #tpu.memory_space<vmem>>
        %dma_wait3A_99 = tpu.memref_squeeze %dma_wait3A_98 : memref<1x2x128xi32, #tpu.memory_space<vmem>> -> memref<2x128xi32, #tpu.memory_space<vmem>>
        %dma_wait3A_100 = arith.constant 0 : i32
        %dma_wait3A_101 = tpu.memref_slice %arg3[%dma_wait3A_100, %mul3A_81] : memref<2x320000xi32, #tpu.memory_space<hbm>> -> memref<2x128xi32, #tpu.memory_space<hbm>>
        %dma_wait3A_102 = arith.constant 0 : i32
        %dma_wait3A_103 = arith.constant 0 : i32
        %dma_wait3A_104 = tpu.memref_slice %arg6[%run_scoped3A_82, %dma_wait3A_102, %dma_wait3A_103] : memref<4x2x128xi32, #tpu.memory_space<vmem>> -> memref<1x2x128xi32, #tpu.memory_space<vmem>>
        %dma_wait3A_105 = tpu.memref_squeeze %dma_wait3A_104 : memref<1x2x128xi32, #tpu.memory_space<vmem>> -> memref<2x128xi32, #tpu.memory_space<vmem>>
        %dma_wait3A_106 = arith.constant 0 : i32
        %dma_wait3A_107 = tpu.memref_slice %arg3[%dma_wait3A_106, %mul3A_81] : memref<2x320000xi32, #tpu.memory_space<hbm>> -> memref<2x128xi32, #tpu.memory_space<hbm>>
        tpu.wait_dma2 semaphore(%run_scoped3A_83 : memref<!tpu.dma_semaphore, #tpu.memory_space<semaphore_mem>>) src(%dma_wait3A_107 : memref<2x128xi32, #tpu.memory_space<hbm>>) dst(%dma_wait3A_105 : memref<2x128xi32, #tpu.memory_space<vmem>>)
        tpu.yield
      }) : () -> ()
    } else {
    }
    %scan3A = arith.constant 0 : i32
    %scan3A_25 = arith.constant 128 : i32
    %scan3A_26 = arith.addi %scan3A, %scan3A_25 : i32
    %scan3A_27 = arith.constant 1 : i32
    scf.for %scan3A_78 = %scan3A to %scan3A_26 step %scan3A_27  : i32 {
      %swap3A = arith.constant 2 : i32
      %swap3A_79 = arith.index_cast %swap3A : i32 to index
      %swap3A_80 = arith.index_cast %scan3A_78 : i32 to index
      %swap3A_81 = arith.constant 0 : index
      %swap3A_82 = tpu.vector_load %arg7[%swap3A_79, %swap3A_80, %swap3A_81] {strides = array<i32>} : memref<3x128x128xf32, #tpu.memory_space<vmem>>, vector<1x1x16xf32>,
      %swap3A_83 = vector.shape_cast %swap3A_82 : vector<1x1x16xf32> to vector<16xf32>
      %swap3A_84 = vector.shape_cast %broadcast_in_dim3A_1 : vector<16xf32> to vector<1x1x16xf32>
      tpu.vector_store %arg7[%swap3A_79, %swap3A_80, %swap3A_81], %swap3A_84 {strides = array<i32>} : memref<3x128x128xf32, #tpu.memory_space<vmem>>, vector<1x1x16xf32>,
      %swap3A_85 = arith.constant 2 : i32
      %swap3A_86 = arith.index_cast %swap3A_85 : i32 to index
      %swap3A_87 = arith.index_cast %scan3A_78 : i32 to index
      %swap3A_88 = arith.constant 16 : index
      %swap3A_89 = tpu.vector_load %arg7[%swap3A_86, %swap3A_87, %swap3A_88] {strides = array<i32>} : memref<3x128x128xf32, #tpu.memory_space<vmem>>, vector<1x1x16xf32>,
      %swap3A_90 = vector.shape_cast %swap3A_89 : vector<1x1x16xf32> to vector<16xf32>
      %swap3A_91 = vector.shape_cast %broadcast_in_dim3A_1 : vector<16xf32> to vector<1x1x16xf32>
      tpu.vector_store %arg7[%swap3A_86, %swap3A_87, %swap3A_88], %swap3A_91 {strides = array<i32>} : memref<3x128x128xf32, #tpu.memory_space<vmem>>, vector<1x1x16xf32>,
      %swap3A_92 = arith.constant 2 : i32
      %swap3A_93 = arith.index_cast %swap3A_92 : i32 to index
      %swap3A_94 = arith.index_cast %scan3A_78 : i32 to index
      %swap3A_95 = arith.constant 32 : index
      %swap3A_96 = tpu.vector_load %arg7[%swap3A_93, %swap3A_94, %swap3A_95] {strides = array<i32>} : memref<3x128x128xf32, #tpu.memory_space<vmem>>, vector<1x1x16xf32>,
      %swap3A_97 = vector.shape_cast %swap3A_96 : vector<1x1x16xf32> to vector<16xf32>
      %swap3A_98 = vector.shape_cast %broadcast_in_dim3A_1 : vector<16xf32> to vector<1x1x16xf32>
      tpu.vector_store %arg7[%swap3A_93, %swap3A_94, %swap3A_95], %swap3A_98 {strides = array<i32>} : memref<3x128x128xf32, #tpu.memory_space<vmem>>, vector<1x1x16xf32>,
      %swap3A_99 = arith.constant 2 : i32
      %swap3A_100 = arith.index_cast %swap3A_99 : i32 to index
      %swap3A_101 = arith.index_cast %scan3A_78 : i32 to index
      %swap3A_102 = arith.constant 48 : index
      %swap3A_103 = tpu.vector_load %arg7[%swap3A_100, %swap3A_101, %swap3A_102] {strides = array<i32>} : memref<3x128x128xf32, #tpu.memory_space<vmem>>, vector<1x1x16xf32>,
      %swap3A_104 = vector.shape_cast %swap3A_103 : vector<1x1x16xf32> to vector<16xf32>
      %swap3A_105 = vector.shape_cast %broadcast_in_dim3A_1 : vector<16xf32> to vector<1x1x16xf32>
      tpu.vector_store %arg7[%swap3A_100, %swap3A_101, %swap3A_102], %swap3A_105 {strides = array<i32>} : memref<3x128x128xf32, #tpu.memory_space<vmem>>, vector<1x1x16xf32>,
      %swap3A_106 = arith.constant 2 : i32
      %swap3A_107 = arith.index_cast %swap3A_106 : i32 to index
      %swap3A_108 = arith.index_cast %scan3A_78 : i32 to index
      %swap3A_109 = arith.constant 64 : index
      %swap3A_110 = tpu.vector_load %arg7[%swap3A_107, %swap3A_108, %swap3A_109] {strides = array<i32>} : memref<3x128x128xf32, #tpu.memory_space<vmem>>, vector<1x1x16xf32>,
      %swap3A_111 = vector.shape_cast %swap3A_110 : vector<1x1x16xf32> to vector<16xf32>
      %swap3A_112 = vector.shape_cast %broadcast_in_dim3A_1 : vector<16xf32> to vector<1x1x16xf32>
      tpu.vector_store %arg7[%swap3A_107, %swap3A_108, %swap3A_109], %swap3A_112 {strides = array<i32>} : memref<3x128x128xf32, #tpu.memory_space<vmem>>, vector<1x1x16xf32>,
      %swap3A_113 = arith.constant 2 : i32
      %swap3A_114 = arith.index_cast %swap3A_113 : i32 to index
      %swap3A_115 = arith.index_cast %scan3A_78 : i32 to index
      %swap3A_116 = arith.constant 80 : index
      %swap3A_117 = tpu.vector_load %arg7[%swap3A_114, %swap3A_115, %swap3A_116] {strides = array<i32>} : memref<3x128x128xf32, #tpu.memory_space<vmem>>, vector<1x1x16xf32>,
      %swap3A_118 = vector.shape_cast %swap3A_117 : vector<1x1x16xf32> to vector<16xf32>
      %swap3A_119 = vector.shape_cast %broadcast_in_dim3A_1 : vector<16xf32> to vector<1x1x16xf32>
      tpu.vector_store %arg7[%swap3A_114, %swap3A_115, %swap3A_116], %swap3A_119 {strides = array<i32>} : memref<3x128x128xf32, #tpu.memory_space<vmem>>, vector<1x1x16xf32>,
      %swap3A_120 = arith.constant 2 : i32
      %swap3A_121 = arith.index_cast %swap3A_120 : i32 to index
      %swap3A_122 = arith.index_cast %scan3A_78 : i32 to index
      %swap3A_123 = arith.constant 96 : index
      %swap3A_124 = tpu.vector_load %arg7[%swap3A_121, %swap3A_122, %swap3A_123] {strides = array<i32>} : memref<3x128x128xf32, #tpu.memory_space<vmem>>, vector<1x1x16xf32>,
      %swap3A_125 = vector.shape_cast %swap3A_124 : vector<1x1x16xf32> to vector<16xf32>
      %swap3A_126 = vector.shape_cast %broadcast_in_dim3A_1 : vector<16xf32> to vector<1x1x16xf32>
      tpu.vector_store %arg7[%swap3A_121, %swap3A_122, %swap3A_123], %swap3A_126 {strides = array<i32>} : memref<3x128x128xf32, #tpu.memory_space<vmem>>, vector<1x1x16xf32>,
      %swap3A_127 = arith.constant 2 : i32
      %swap3A_128 = arith.index_cast %swap3A_127 : i32 to index
      %swap3A_129 = arith.index_cast %scan3A_78 : i32 to index
      %swap3A_130 = arith.constant 112 : index
      %swap3A_131 = tpu.vector_load %arg7[%swap3A_128, %swap3A_129, %swap3A_130] {strides = array<i32>} : memref<3x128x128xf32, #tpu.memory_space<vmem>>, vector<1x1x16xf32>,
      %swap3A_132 = vector.shape_cast %swap3A_131 : vector<1x1x16xf32> to vector<16xf32>
      %swap3A_133 = vector.shape_cast %broadcast_in_dim3A_1 : vector<16xf32> to vector<1x1x16xf32>
      tpu.vector_store %arg7[%swap3A_128, %swap3A_129, %swap3A_130], %swap3A_133 {strides = array<i32>} : memref<3x128x128xf32, #tpu.memory_space<vmem>>, vector<1x1x16xf32>,
    }
    %scan3A_28 = arith.constant 128 : i32
    %mul3A_29 = arith.constant 632 : i32
    %mul3A_30 = arith.muli %arg1, %mul3A_29 : i32
    %add3A_31 = arith.constant 0 : i32
    %add3A_32 = arith.addi %mul3A_30, %add3A_31 : i32
    %run_scoped3A_33 = arith.constant 2 : i32
    "tpu.region"() ({
      %run_scoped3A_78 = tpu.sem_alloc : memref<!tpu.dma_semaphore, #tpu.memory_space<semaphore_mem>>
      %dma_start3A_79 = arith.constant 0 : i32
      %dma_start3A_80 = arith.constant 0 : i32
      %dma_start3A_81 = tpu.memref_slice %arg7[%run_scoped3A_33, %dma_start3A_79, %dma_start3A_80] : memref<3x128x128xf32, #tpu.memory_space<vmem>> -> memref<1x128x128xf32, #tpu.memory_space<vmem>>
      %dma_start3A_82 = tpu.memref_squeeze %dma_start3A_81 : memref<1x128x128xf32, #tpu.memory_space<vmem>> -> memref<128x128xf32, #tpu.memory_space<vmem>>
      %dma_start3A_83 = arith.constant 0 : i32
      %dma_start3A_84 = tpu.memref_slice %arg5[%add3A_32, %dma_start3A_83] : memref<10112x128xf32, #tpu.memory_space<vmem_shared>> -> memref<128x128xf32, #tpu.memory_space<vmem_shared>>
      %dma_start3A_85 = arith.constant 0 : i32
      %dma_start3A_86 = tpu.memref_slice %arg5[%add3A_32, %dma_start3A_85] : memref<10112x128xf32, #tpu.memory_space<vmem_shared>> -> memref<128x128xf32, #tpu.memory_space<vmem_shared>>
      %dma_start3A_87 = arith.constant 0 : i32
      %dma_start3A_88 = arith.constant 0 : i32
      %dma_start3A_89 = tpu.memref_slice %arg7[%run_scoped3A_33, %dma_start3A_87, %dma_start3A_88] : memref<3x128x128xf32, #tpu.memory_space<vmem>> -> memref<1x128x128xf32, #tpu.memory_space<vmem>>
      %dma_start3A_90 = tpu.memref_squeeze %dma_start3A_89 : memref<1x128x128xf32, #tpu.memory_space<vmem>> -> memref<128x128xf32, #tpu.memory_space<vmem>>
      tpu.enqueue_dma source(%dma_start3A_90 : memref<128x128xf32, #tpu.memory_space<vmem>>) target(%dma_start3A_86 : memref<128x128xf32, #tpu.memory_space<vmem_shared>>) target_semaphore(%run_scoped3A_78 : memref<!tpu.dma_semaphore, #tpu.memory_space<semaphore_mem>>)
      %dma_wait3A_91 = arith.constant 0 : i32
      %dma_wait3A_92 = arith.constant 0 : i32
      %dma_wait3A_93 = tpu.memref_slice %arg7[%run_scoped3A_33, %dma_wait3A_91, %dma_wait3A_92] : memref<3x128x128xf32, #tpu.memory_space<vmem>> -> memref<1x128x128xf32, #tpu.memory_space<vmem>>
      %dma_wait3A_94 = tpu.memref_squeeze %dma_wait3A_93 : memref<1x128x128xf32, #tpu.memory_space<vmem>> -> memref<128x128xf32, #tpu.memory_space<vmem>>
      %dma_wait3A_95 = arith.constant 0 : i32
      %dma_wait3A_96 = tpu.memref_slice %arg5[%add3A_32, %dma_wait3A_95] : memref<10112x128xf32, #tpu.memory_space<vmem_shared>> -> memref<128x128xf32, #tpu.memory_space<vmem_shared>>
      %dma_wait3A_97 = arith.constant 0 : i32
      %dma_wait3A_98 = tpu.memref_slice %arg5[%add3A_32, %dma_wait3A_97] : memref<10112x128xf32, #tpu.memory_space<vmem_shared>> -> memref<128x128xf32, #tpu.memory_space<vmem_shared>>
      %dma_wait3A_99 = arith.constant 0 : i32
      %dma_wait3A_100 = arith.constant 0 : i32
      %dma_wait3A_101 = tpu.memref_slice %arg7[%run_scoped3A_33, %dma_wait3A_99, %dma_wait3A_100] : memref<3x128x128xf32, #tpu.memory_space<vmem>> -> memref<1x128x128xf32, #tpu.memory_space<vmem>>
      %dma_wait3A_102 = tpu.memref_squeeze %dma_wait3A_101 : memref<1x128x128xf32, #tpu.memory_space<vmem>> -> memref<128x128xf32, #tpu.memory_space<vmem>>
      tpu.wait_dma2 semaphore(%run_scoped3A_78 : memref<!tpu.dma_semaphore, #tpu.memory_space<semaphore_mem>>) src(%dma_wait3A_102 : memref<128x128xf32, #tpu.memory_space<vmem>>) dst(%dma_wait3A_98 : memref<128x128xf32, #tpu.memory_space<vmem_shared>>)
      tpu.yield
    }) : () -> ()
    %add3A_34 = arith.constant 128 : i32
    %add3A_35 = arith.addi %mul3A_30, %add3A_34 : i32
    %run_scoped3A_36 = arith.constant 2 : i32
    "tpu.region"() ({
      %run_scoped3A_78 = tpu.sem_alloc : memref<!tpu.dma_semaphore, #tpu.memory_space<semaphore_mem>>
      %dma_start3A_79 = arith.constant 0 : i32
      %dma_start3A_80 = arith.constant 0 : i32
      %dma_start3A_81 = tpu.memref_slice %arg7[%run_scoped3A_36, %dma_start3A_79, %dma_start3A_80] : memref<3x128x128xf32, #tpu.memory_space<vmem>> -> memref<1x128x128xf32, #tpu.memory_space<vmem>>
      %dma_start3A_82 = tpu.memref_squeeze %dma_start3A_81 : memref<1x128x128xf32, #tpu.memory_space<vmem>> -> memref<128x128xf32, #tpu.memory_space<vmem>>
      %dma_start3A_83 = arith.constant 0 : i32
      %dma_start3A_84 = tpu.memref_slice %arg5[%add3A_35, %dma_start3A_83] : memref<10112x128xf32, #tpu.memory_space<vmem_shared>> -> memref<128x128xf32, #tpu.memory_space<vmem_shared>>
      %dma_start3A_85 = arith.constant 0 : i32
      %dma_start3A_86 = tpu.memref_slice %arg5[%add3A_35, %dma_start3A_85] : memref<10112x128xf32, #tpu.memory_space<vmem_shared>> -> memref<128x128xf32, #tpu.memory_space<vmem_shared>>
      %dma_start3A_87 = arith.constant 0 : i32
      %dma_start3A_88 = arith.constant 0 : i32
      %dma_start3A_89 = tpu.memref_slice %arg7[%run_scoped3A_36, %dma_start3A_87, %dma_start3A_88] : memref<3x128x128xf32, #tpu.memory_space<vmem>> -> memref<1x128x128xf32, #tpu.memory_space<vmem>>
      %dma_start3A_90 = tpu.memref_squeeze %dma_start3A_89 : memref<1x128x128xf32, #tpu.memory_space<vmem>> -> memref<128x128xf32, #tpu.memory_space<vmem>>
      tpu.enqueue_dma source(%dma_start3A_90 : memref<128x128xf32, #tpu.memory_space<vmem>>) target(%dma_start3A_86 : memref<128x128xf32, #tpu.memory_space<vmem_shared>>) target_semaphore(%run_scoped3A_78 : memref<!tpu.dma_semaphore, #tpu.memory_space<semaphore_mem>>)
      %dma_wait3A_91 = arith.constant 0 : i32
      %dma_wait3A_92 = arith.constant 0 : i32
      %dma_wait3A_93 = tpu.memref_slice %arg7[%run_scoped3A_36, %dma_wait3A_91, %dma_wait3A_92] : memref<3x128x128xf32, #tpu.memory_space<vmem>> -> memref<1x128x128xf32, #tpu.memory_space<vmem>>
      %dma_wait3A_94 = tpu.memref_squeeze %dma_wait3A_93 : memref<1x128x128xf32, #tpu.memory_space<vmem>> -> memref<128x128xf32, #tpu.memory_space<vmem>>
      %dma_wait3A_95 = arith.constant 0 : i32
      %dma_wait3A_96 = tpu.memref_slice %arg5[%add3A_35, %dma_wait3A_95] : memref<10112x128xf32, #tpu.memory_space<vmem_shared>> -> memref<128x128xf32, #tpu.memory_space<vmem_shared>>
      %dma_wait3A_97 = arith.constant 0 : i32
      %dma_wait3A_98 = tpu.memref_slice %arg5[%add3A_35, %dma_wait3A_97] : memref<10112x128xf32, #tpu.memory_space<vmem_shared>> -> memref<128x128xf32, #tpu.memory_space<vmem_shared>>
      %dma_wait3A_99 = arith.constant 0 : i32
      %dma_wait3A_100 = arith.constant 0 : i32
      %dma_wait3A_101 = tpu.memref_slice %arg7[%run_scoped3A_36, %dma_wait3A_99, %dma_wait3A_100] : memref<3x128x128xf32, #tpu.memory_space<vmem>> -> memref<1x128x128xf32, #tpu.memory_space<vmem>>
      %dma_wait3A_102 = tpu.memref_squeeze %dma_wait3A_101 : memref<1x128x128xf32, #tpu.memory_space<vmem>> -> memref<128x128xf32, #tpu.memory_space<vmem>>
      tpu.wait_dma2 semaphore(%run_scoped3A_78 : memref<!tpu.dma_semaphore, #tpu.memory_space<semaphore_mem>>) src(%dma_wait3A_102 : memref<128x128xf32, #tpu.memory_space<vmem>>) dst(%dma_wait3A_98 : memref<128x128xf32, #tpu.memory_space<vmem_shared>>)
      tpu.yield
    }) : () -> ()
    %add3A_37 = arith.constant 256 : i32
    %add3A_38 = arith.addi %mul3A_30, %add3A_37 : i32
    %run_scoped3A_39 = arith.constant 2 : i32
    "tpu.region"() ({
      %run_scoped3A_78 = tpu.sem_alloc : memref<!tpu.dma_semaphore, #tpu.memory_space<semaphore_mem>>
      %dma_start3A_79 = arith.constant 0 : i32
      %dma_start3A_80 = arith.constant 0 : i32
      %dma_start3A_81 = tpu.memref_slice %arg7[%run_scoped3A_39, %dma_start3A_79, %dma_start3A_80] : memref<3x128x128xf32, #tpu.memory_space<vmem>> -> memref<1x128x128xf32, #tpu.memory_space<vmem>>
      %dma_start3A_82 = tpu.memref_squeeze %dma_start3A_81 : memref<1x128x128xf32, #tpu.memory_space<vmem>> -> memref<128x128xf32, #tpu.memory_space<vmem>>
      %dma_start3A_83 = arith.constant 0 : i32
      %dma_start3A_84 = tpu.memref_slice %arg5[%add3A_38, %dma_start3A_83] : memref<10112x128xf32, #tpu.memory_space<vmem_shared>> -> memref<128x128xf32, #tpu.memory_space<vmem_shared>>
      %dma_start3A_85 = arith.constant 0 : i32
      %dma_start3A_86 = tpu.memref_slice %arg5[%add3A_38, %dma_start3A_85] : memref<10112x128xf32, #tpu.memory_space<vmem_shared>> -> memref<128x128xf32, #tpu.memory_space<vmem_shared>>
      %dma_start3A_87 = arith.constant 0 : i32
      %dma_start3A_88 = arith.constant 0 : i32
      %dma_start3A_89 = tpu.memref_slice %arg7[%run_scoped3A_39, %dma_start3A_87, %dma_start3A_88] : memref<3x128x128xf32, #tpu.memory_space<vmem>> -> memref<1x128x128xf32, #tpu.memory_space<vmem>>
      %dma_start3A_90 = tpu.memref_squeeze %dma_start3A_89 : memref<1x128x128xf32, #tpu.memory_space<vmem>> -> memref<128x128xf32, #tpu.memory_space<vmem>>
      tpu.enqueue_dma source(%dma_start3A_90 : memref<128x128xf32, #tpu.memory_space<vmem>>) target(%dma_start3A_86 : memref<128x128xf32, #tpu.memory_space<vmem_shared>>) target_semaphore(%run_scoped3A_78 : memref<!tpu.dma_semaphore, #tpu.memory_space<semaphore_mem>>)
      %dma_wait3A_91 = arith.constant 0 : i32
      %dma_wait3A_92 = arith.constant 0 : i32
      %dma_wait3A_93 = tpu.memref_slice %arg7[%run_scoped3A_39, %dma_wait3A_91, %dma_wait3A_92] : memref<3x128x128xf32, #tpu.memory_space<vmem>> -> memref<1x128x128xf32, #tpu.memory_space<vmem>>
      %dma_wait3A_94 = tpu.memref_squeeze %dma_wait3A_93 : memref<1x128x128xf32, #tpu.memory_space<vmem>> -> memref<128x128xf32, #tpu.memory_space<vmem>>
      %dma_wait3A_95 = arith.constant 0 : i32
      %dma_wait3A_96 = tpu.memref_slice %arg5[%add3A_38, %dma_wait3A_95] : memref<10112x128xf32, #tpu.memory_space<vmem_shared>> -> memref<128x128xf32, #tpu.memory_space<vmem_shared>>
      %dma_wait3A_97 = arith.constant 0 : i32
      %dma_wait3A_98 = tpu.memref_slice %arg5[%add3A_38, %dma_wait3A_97] : memref<10112x128xf32, #tpu.memory_space<vmem_shared>> -> memref<128x128xf32, #tpu.memory_space<vmem_shared>>
      %dma_wait3A_99 = arith.constant 0 : i32
      %dma_wait3A_100 = arith.constant 0 : i32
      %dma_wait3A_101 = tpu.memref_slice %arg7[%run_scoped3A_39, %dma_wait3A_99, %dma_wait3A_100] : memref<3x128x128xf32, #tpu.memory_space<vmem>> -> memref<1x128x128xf32, #tpu.memory_space<vmem>>
      %dma_wait3A_102 = tpu.memref_squeeze %dma_wait3A_101 : memref<1x128x128xf32, #tpu.memory_space<vmem>> -> memref<128x128xf32, #tpu.memory_space<vmem>>
      tpu.wait_dma2 semaphore(%run_scoped3A_78 : memref<!tpu.dma_semaphore, #tpu.memory_space<semaphore_mem>>) src(%dma_wait3A_102 : memref<128x128xf32, #tpu.memory_space<vmem>>) dst(%dma_wait3A_98 : memref<128x128xf32, #tpu.memory_space<vmem_shared>>)
      tpu.yield
    }) : () -> ()
    %add3A_40 = arith.constant 384 : i32
    %add3A_41 = arith.addi %mul3A_30, %add3A_40 : i32
    %run_scoped3A_42 = arith.constant 2 : i32
    "tpu.region"() ({
      %run_scoped3A_78 = tpu.sem_alloc : memref<!tpu.dma_semaphore, #tpu.memory_space<semaphore_mem>>
      %dma_start3A_79 = arith.constant 0 : i32
      %dma_start3A_80 = arith.constant 0 : i32
      %dma_start3A_81 = tpu.memref_slice %arg7[%run_scoped3A_42, %dma_start3A_79, %dma_start3A_80] : memref<3x128x128xf32, #tpu.memory_space<vmem>> -> memref<1x128x128xf32, #tpu.memory_space<vmem>>
      %dma_start3A_82 = tpu.memref_squeeze %dma_start3A_81 : memref<1x128x128xf32, #tpu.memory_space<vmem>> -> memref<128x128xf32, #tpu.memory_space<vmem>>
      %dma_start3A_83 = arith.constant 0 : i32
      %dma_start3A_84 = tpu.memref_slice %arg5[%add3A_41, %dma_start3A_83] : memref<10112x128xf32, #tpu.memory_space<vmem_shared>> -> memref<128x128xf32, #tpu.memory_space<vmem_shared>>
      %dma_start3A_85 = arith.constant 0 : i32
      %dma_start3A_86 = tpu.memref_slice %arg5[%add3A_41, %dma_start3A_85] : memref<10112x128xf32, #tpu.memory_space<vmem_shared>> -> memref<128x128xf32, #tpu.memory_space<vmem_shared>>
      %dma_start3A_87 = arith.constant 0 : i32
      %dma_start3A_88 = arith.constant 0 : i32
      %dma_start3A_89 = tpu.memref_slice %arg7[%run_scoped3A_42, %dma_start3A_87, %dma_start3A_88] : memref<3x128x128xf32, #tpu.memory_space<vmem>> -> memref<1x128x128xf32, #tpu.memory_space<vmem>>
      %dma_start3A_90 = tpu.memref_squeeze %dma_start3A_89 : memref<1x128x128xf32, #tpu.memory_space<vmem>> -> memref<128x128xf32, #tpu.memory_space<vmem>>
      tpu.enqueue_dma source(%dma_start3A_90 : memref<128x128xf32, #tpu.memory_space<vmem>>) target(%dma_start3A_86 : memref<128x128xf32, #tpu.memory_space<vmem_shared>>) target_semaphore(%run_scoped3A_78 : memref<!tpu.dma_semaphore, #tpu.memory_space<semaphore_mem>>)
      %dma_wait3A_91 = arith.constant 0 : i32
      %dma_wait3A_92 = arith.constant 0 : i32
      %dma_wait3A_93 = tpu.memref_slice %arg7[%run_scoped3A_42, %dma_wait3A_91, %dma_wait3A_92] : memref<3x128x128xf32, #tpu.memory_space<vmem>> -> memref<1x128x128xf32, #tpu.memory_space<vmem>>
      %dma_wait3A_94 = tpu.memref_squeeze %dma_wait3A_93 : memref<1x128x128xf32, #tpu.memory_space<vmem>> -> memref<128x128xf32, #tpu.memory_space<vmem>>
      %dma_wait3A_95 = arith.constant 0 : i32
      %dma_wait3A_96 = tpu.memref_slice %arg5[%add3A_41, %dma_wait3A_95] : memref<10112x128xf32, #tpu.memory_space<vmem_shared>> -> memref<128x128xf32, #tpu.memory_space<vmem_shared>>
      %dma_wait3A_97 = arith.constant 0 : i32
      %dma_wait3A_98 = tpu.memref_slice %arg5[%add3A_41, %dma_wait3A_97] : memref<10112x128xf32, #tpu.memory_space<vmem_shared>> -> memref<128x128xf32, #tpu.memory_space<vmem_shared>>
      %dma_wait3A_99 = arith.constant 0 : i32
      %dma_wait3A_100 = arith.constant 0 : i32
      %dma_wait3A_101 = tpu.memref_slice %arg7[%run_scoped3A_42, %dma_wait3A_99, %dma_wait3A_100] : memref<3x128x128xf32, #tpu.memory_space<vmem>> -> memref<1x128x128xf32, #tpu.memory_space<vmem>>
      %dma_wait3A_102 = tpu.memref_squeeze %dma_wait3A_101 : memref<1x128x128xf32, #tpu.memory_space<vmem>> -> memref<128x128xf32, #tpu.memory_space<vmem>>
      tpu.wait_dma2 semaphore(%run_scoped3A_78 : memref<!tpu.dma_semaphore, #tpu.memory_space<semaphore_mem>>) src(%dma_wait3A_102 : memref<128x128xf32, #tpu.memory_space<vmem>>) dst(%dma_wait3A_98 : memref<128x128xf32, #tpu.memory_space<vmem_shared>>)
      tpu.yield
    }) : () -> ()
    %add3A_43 = arith.constant 512 : i32
    %add3A_44 = arith.addi %mul3A_30, %add3A_43 : i32
    %run_scoped3A_45 = arith.constant 2 : i32
    "tpu.region"() ({
      %run_scoped3A_78 = tpu.sem_alloc : memref<!tpu.dma_semaphore, #tpu.memory_space<semaphore_mem>>
      %dma_start3A_79 = arith.constant 0 : i32
      %dma_start3A_80 = arith.constant 0 : i32
      %dma_start3A_81 = tpu.memref_slice %arg7[%run_scoped3A_45, %dma_start3A_79, %dma_start3A_80] : memref<3x128x128xf32, #tpu.memory_space<vmem>> -> memref<1x120x128xf32, #tpu.memory_space<vmem>>
      %dma_start3A_82 = tpu.memref_squeeze %dma_start3A_81 : memref<1x120x128xf32, #tpu.memory_space<vmem>> -> memref<120x128xf32, #tpu.memory_space<vmem>>
      %dma_start3A_83 = arith.constant 0 : i32
      %dma_start3A_84 = tpu.memref_slice %arg5[%add3A_44, %dma_start3A_83] : memref<10112x128xf32, #tpu.memory_space<vmem_shared>> -> memref<120x128xf32, #tpu.memory_space<vmem_shared>>
      %dma_start3A_85 = arith.constant 0 : i32
      %dma_start3A_86 = tpu.memref_slice %arg5[%add3A_44, %dma_start3A_85] : memref<10112x128xf32, #tpu.memory_space<vmem_shared>> -> memref<120x128xf32, #tpu.memory_space<vmem_shared>>
      %dma_start3A_87 = arith.constant 0 : i32
      %dma_start3A_88 = arith.constant 0 : i32
      %dma_start3A_89 = tpu.memref_slice %arg7[%run_scoped3A_45, %dma_start3A_87, %dma_start3A_88] : memref<3x128x128xf32, #tpu.memory_space<vmem>> -> memref<1x120x128xf32, #tpu.memory_space<vmem>>
      %dma_start3A_90 = tpu.memref_squeeze %dma_start3A_89 : memref<1x120x128xf32, #tpu.memory_space<vmem>> -> memref<120x128xf32, #tpu.memory_space<vmem>>
      tpu.enqueue_dma source(%dma_start3A_90 : memref<120x128xf32, #tpu.memory_space<vmem>>) target(%dma_start3A_86 : memref<120x128xf32, #tpu.memory_space<vmem_shared>>) target_semaphore(%run_scoped3A_78 : memref<!tpu.dma_semaphore, #tpu.memory_space<semaphore_mem>>)
      %dma_wait3A_91 = arith.constant 0 : i32
      %dma_wait3A_92 = arith.constant 0 : i32
      %dma_wait3A_93 = tpu.memref_slice %arg7[%run_scoped3A_45, %dma_wait3A_91, %dma_wait3A_92] : memref<3x128x128xf32, #tpu.memory_space<vmem>> -> memref<1x120x128xf32, #tpu.memory_space<vmem>>
      %dma_wait3A_94 = tpu.memref_squeeze %dma_wait3A_93 : memref<1x120x128xf32, #tpu.memory_space<vmem>> -> memref<120x128xf32, #tpu.memory_space<vmem>>
      %dma_wait3A_95 = arith.constant 0 : i32
      %dma_wait3A_96 = tpu.memref_slice %arg5[%add3A_44, %dma_wait3A_95] : memref<10112x128xf32, #tpu.memory_space<vmem_shared>> -> memref<120x128xf32, #tpu.memory_space<vmem_shared>>
      %dma_wait3A_97 = arith.constant 0 : i32
      %dma_wait3A_98 = tpu.memref_slice %arg5[%add3A_44, %dma_wait3A_97] : memref<10112x128xf32, #tpu.memory_space<vmem_shared>> -> memref<120x128xf32, #tpu.memory_space<vmem_shared>>
      %dma_wait3A_99 = arith.constant 0 : i32
      %dma_wait3A_100 = arith.constant 0 : i32
      %dma_wait3A_101 = tpu.memref_slice %arg7[%run_scoped3A_45, %dma_wait3A_99, %dma_wait3A_100] : memref<3x128x128xf32, #tpu.memory_space<vmem>> -> memref<1x120x128xf32, #tpu.memory_space<vmem>>
      %dma_wait3A_102 = tpu.memref_squeeze %dma_wait3A_101 : memref<1x120x128xf32, #tpu.memory_space<vmem>> -> memref<120x128xf32, #tpu.memory_space<vmem>>
      tpu.wait_dma2 semaphore(%run_scoped3A_78 : memref<!tpu.dma_semaphore, #tpu.memory_space<semaphore_mem>>) src(%dma_wait3A_102 : memref<120x128xf32, #tpu.memory_space<vmem>>) dst(%dma_wait3A_98 : memref<120x128xf32, #tpu.memory_space<vmem_shared>>)
      tpu.yield
    }) : () -> ()
    %barrier3A = arith.constant 0 : index
    tpu.barrier barrier_id(%barrier3A)
    %while3A = arith.constant 0 : i32
    %while3A_46 = arith.subi %add3A_4, %while3A : i32
    %while3A_47 = arith.addi %while3A, %while3A_46 : i32
    %while3A_48 = arith.constant 1 : i32
    %while3A_49 = arith.divsi %while3A_46, %while3A_48 : i32
    %while3A_50 = arith.muli %while3A_49, %while3A_48 : i32
    %while3A_51 = arith.addi %while3A, %while3A_50 : i32
    %while3A_52 = arith.constant 1 : i32
    scf.for %while3A_78 = %while3A to %while3A_51 step %while3A_52  : i32 {
      %rem3A_79 = arith.constant 3 : i32
      %rem3A_80 = arith.remsi %while3A_78, %rem3A_79 : i32
      %add3A_81 = arith.constant 1 : i32
      %add3A_82 = arith.addi %while3A_78, %add3A_81 : i32
      %rem3A_83 = arith.constant 3 : i32
      %rem3A_84 = arith.remsi %add3A_82, %rem3A_83 : i32
      %add3A_85 = arith.constant 2 : i32
      %add3A_86 = arith.addi %while3A_78, %add3A_85 : i32
      %rem3A_87 = arith.constant 4 : i32
      %rem3A_88 = arith.remsi %add3A_86, %rem3A_87 : i32
      %add3A_89 = arith.constant 1 : i32
      %add3A_90 = arith.addi %while3A_78, %add3A_89 : i32
      %rem3A_91 = arith.constant 4 : i32
      %rem3A_92 = arith.remsi %add3A_90, %rem3A_91 : i32
      %ge3A_93 = arith.constant 2 : i32
      %ge3A_94 = arith.cmpi sge, %while3A_78, %ge3A_93 : i32
      %convert_element_type3A_95 = arith.extui %ge3A_94 : i1 to i32
      %cond3A_96 = arith.constant 0 : i32
      %cond3A_97 = arith.cmpi ne, %convert_element_type3A_95, %cond3A_96 : i32
      scf.if %cond3A_97 {
        %add3A_150 = arith.constant 2 : i32
        %add3A_151 = arith.addi %while3A_78, %add3A_150 : i32
        %rem3A_152 = arith.constant 4 : i32
        %rem3A_153 = arith.remsi %add3A_151, %rem3A_152 : i32
        %dma_wait3A_154 = arith.constant 1 : i32
        %dma_wait3A_155 = arith.constant 0 : i32
        %dma_wait3A_156 = arith.constant 0 : i32
        %dma_wait3A_157 = tpu.memref_slice %arg7[%rem3A_84, %dma_wait3A_155, %dma_wait3A_156] : memref<3x128x128xf32, #tpu.memory_space<vmem>> -> memref<1x128x128xf32, #tpu.memory_space<vmem>>
        %dma_wait3A_158 = tpu.memref_squeeze %dma_wait3A_157 : memref<1x128x128xf32, #tpu.memory_space<vmem>> -> memref<128x128xf32, #tpu.memory_space<vmem>>
        %dma_wait3A_159 = arith.constant 0 : i32
        %dma_wait3A_160 = tpu.memref_slice %arg6[%rem3A_153, %dma_wait3A_154, %dma_wait3A_159] : memref<4x2x128xi32, #tpu.memory_space<vmem>> -> memref<1x1x128xi32, #tpu.memory_space<vmem>>
        %dma_wait3A_161 = tpu.memref_squeeze %dma_wait3A_160 : memref<1x1x128xi32, #tpu.memory_space<vmem>> -> memref<128xi32, #tpu.memory_space<vmem>>
        %dma_wait3A_162 = arith.constant 0 : i32
        %dma_wait3A_163 = arith.constant 0 : i32
        %dma_wait3A_164 = tpu.memref_slice %arg5[%dma_wait3A_162, %dma_wait3A_163] : memref<10112x128xf32, #tpu.memory_space<vmem_shared>> -> memref<10112x128xf32, #tpu.memory_space<vmem_shared>>
        %dma_wait3A_165 = tpu.memref_slice %arg10[%rem3A_84] : memref<3x!tpu.dma_semaphore, #tpu.memory_space<semaphore_mem>> -> memref<1x!tpu.dma_semaphore, #tpu.memory_space<semaphore_mem>>
        %dma_wait3A_166 = tpu.memref_squeeze %dma_wait3A_165 : memref<1x!tpu.dma_semaphore, #tpu.memory_space<semaphore_mem>> -> memref<!tpu.dma_semaphore, #tpu.memory_space<semaphore_mem>>
        tpu.wait_indirect_dma semaphore(%dma_wait3A_166 : memref<!tpu.dma_semaphore, #tpu.memory_space<semaphore_mem>>) src(%dma_wait3A_158 : memref<128x128xf32, #tpu.memory_space<vmem>>) dst(%dma_wait3A_164 : memref<10112x128xf32, #tpu.memory_space<vmem_shared>>)
      } else {
      }
      %add3A_98 = arith.constant 2 : i32
      %add3A_99 = arith.addi %while3A_78, %add3A_98 : i32
      %lt3A_100 = arith.cmpi slt, %add3A_99, %add3A_4 : i32
      %convert_element_type3A_101 = arith.extui %lt3A_100 : i1 to i32
      %cond3A_102 = arith.constant 0 : i32
      %cond3A_103 = arith.cmpi ne, %convert_element_type3A_101, %cond3A_102 : i32
      scf.if %cond3A_103 {
        %add3A_150 = arith.constant 2 : i32
        %add3A_151 = arith.addi %while3A_78, %add3A_150 : i32
        %mul3A_152 = arith.constant 32 : i32
        %mul3A_153 = arith.muli %add3A_151, %mul3A_152 : i32
        %add3A_154 = arith.addi %add3A, %mul3A_153 : i32
        %mul3A_155 = arith.constant 128 : i32
        %mul3A_156 = arith.muli %add3A_154, %mul3A_155 : i32
        %dma_start3A_157 = arith.constant 0 : i32
        %dma_start3A_158 = arith.constant 0 : i32
        %dma_start3A_159 = tpu.memref_slice %arg6[%rem3A_88, %dma_start3A_157, %dma_start3A_158] : memref<4x2x128xi32, #tpu.memory_space<vmem>> -> memref<1x2x128xi32, #tpu.memory_space<vmem>>
        %dma_start3A_160 = tpu.memref_squeeze %dma_start3A_159 : memref<1x2x128xi32, #tpu.memory_space<vmem>> -> memref<2x128xi32, #tpu.memory_space<vmem>>
        %dma_start3A_161 = arith.constant 0 : i32
        %dma_start3A_162 = tpu.memref_slice %arg3[%dma_start3A_161, %mul3A_156] : memref<2x320000xi32, #tpu.memory_space<hbm>> -> memref<2x128xi32, #tpu.memory_space<hbm>>
        %dma_start3A_163 = tpu.memref_slice %arg8[%rem3A_88] : memref<4x!tpu.dma_semaphore, #tpu.memory_space<semaphore_mem>> -> memref<1x!tpu.dma_semaphore, #tpu.memory_space<semaphore_mem>>
        %dma_start3A_164 = tpu.memref_squeeze %dma_start3A_163 : memref<1x!tpu.dma_semaphore, #tpu.memory_space<semaphore_mem>> -> memref<!tpu.dma_semaphore, #tpu.memory_space<semaphore_mem>>
        %dma_start3A_165 = arith.constant 0 : i32
        %dma_start3A_166 = arith.constant 0 : i32
        %dma_start3A_167 = tpu.memref_slice %arg6[%rem3A_88, %dma_start3A_165, %dma_start3A_166] : memref<4x2x128xi32, #tpu.memory_space<vmem>> -> memref<1x2x128xi32, #tpu.memory_space<vmem>>
        %dma_start3A_168 = tpu.memref_squeeze %dma_start3A_167 : memref<1x2x128xi32, #tpu.memory_space<vmem>> -> memref<2x128xi32, #tpu.memory_space<vmem>>
        %dma_start3A_169 = arith.constant 0 : i32
        %dma_start3A_170 = tpu.memref_slice %arg3[%dma_start3A_169, %mul3A_156] : memref<2x320000xi32, #tpu.memory_space<hbm>> -> memref<2x128xi32, #tpu.memory_space<hbm>>
        tpu.enqueue_dma source(%dma_start3A_170 : memref<2x128xi32, #tpu.memory_space<hbm>>) target(%dma_start3A_168 : memref<2x128xi32, #tpu.memory_space<vmem>>) target_semaphore(%dma_start3A_164 : memref<!tpu.dma_semaphore, #tpu.memory_space<semaphore_mem>>)
      } else {
      }
      %add3A_104 = arith.constant 1 : i32
      %add3A_105 = arith.addi %while3A_78, %add3A_104 : i32
      %lt3A_106 = arith.cmpi slt, %add3A_105, %add3A_4 : i32
      %add3A_107 = arith.constant 1 : i32
      %add3A_108 = arith.addi %while3A_78, %add3A_107 : i32
      %ge3A_109 = arith.constant 2 : i32
      %ge3A_110 = arith.cmpi sge, %add3A_108, %ge3A_109 : i32
      %and3A = arith.andi %lt3A_106, %ge3A_110 : i1
      %convert_element_type3A_111 = arith.extui %and3A : i1 to i32
      %cond3A_112 = arith.constant 0 : i32
      %cond3A_113 = arith.cmpi ne, %convert_element_type3A_111, %cond3A_112 : i32
      scf.if %cond3A_113 {
        %add3A_150 = arith.constant 1 : i32
        %add3A_151 = arith.addi %while3A_78, %add3A_150 : i32
        %mul3A_152 = arith.constant 32 : i32
        %mul3A_153 = arith.muli %add3A_151, %mul3A_152 : i32
        %add3A_154 = arith.addi %add3A, %mul3A_153 : i32
        %mul3A_155 = arith.constant 128 : i32
        %mul3A_156 = arith.muli %add3A_154, %mul3A_155 : i32
        %dma_wait3A_157 = arith.constant 0 : i32
        %dma_wait3A_158 = arith.constant 0 : i32
        %dma_wait3A_159 = tpu.memref_slice %arg6[%rem3A_92, %dma_wait3A_157, %dma_wait3A_158] : memref<4x2x128xi32, #tpu.memory_space<vmem>> -> memref<1x2x128xi32, #tpu.memory_space<vmem>>
        %dma_wait3A_160 = tpu.memref_squeeze %dma_wait3A_159 : memref<1x2x128xi32, #tpu.memory_space<vmem>> -> memref<2x128xi32, #tpu.memory_space<vmem>>
        %dma_wait3A_161 = arith.constant 0 : i32
        %dma_wait3A_162 = tpu.memref_slice %arg3[%dma_wait3A_161, %mul3A_156] : memref<2x320000xi32, #tpu.memory_space<hbm>> -> memref<2x128xi32, #tpu.memory_space<hbm>>
        %dma_wait3A_163 = tpu.memref_slice %arg8[%rem3A_92] : memref<4x!tpu.dma_semaphore, #tpu.memory_space<semaphore_mem>> -> memref<1x!tpu.dma_semaphore, #tpu.memory_space<semaphore_mem>>
        %dma_wait3A_164 = tpu.memref_squeeze %dma_wait3A_163 : memref<1x!tpu.dma_semaphore, #tpu.memory_space<semaphore_mem>> -> memref<!tpu.dma_semaphore, #tpu.memory_space<semaphore_mem>>
        %dma_wait3A_165 = arith.constant 0 : i32
        %dma_wait3A_166 = arith.constant 0 : i32
        %dma_wait3A_167 = tpu.memref_slice %arg6[%rem3A_92, %dma_wait3A_165, %dma_wait3A_166] : memref<4x2x128xi32, #tpu.memory_space<vmem>> -> memref<1x2x128xi32, #tpu.memory_space<vmem>>
        %dma_wait3A_168 = tpu.memref_squeeze %dma_wait3A_167 : memref<1x2x128xi32, #tpu.memory_space<vmem>> -> memref<2x128xi32, #tpu.memory_space<vmem>>
        %dma_wait3A_169 = arith.constant 0 : i32
        %dma_wait3A_170 = tpu.memref_slice %arg3[%dma_wait3A_169, %mul3A_156] : memref<2x320000xi32, #tpu.memory_space<hbm>> -> memref<2x128xi32, #tpu.memory_space<hbm>>
        tpu.wait_dma2 semaphore(%dma_wait3A_164 : memref<!tpu.dma_semaphore, #tpu.memory_space<semaphore_mem>>) src(%dma_wait3A_170 : memref<2x128xi32, #tpu.memory_space<hbm>>) dst(%dma_wait3A_168 : memref<2x128xi32, #tpu.memory_space<vmem>>)
      } else {
      }
      %add3A_114 = arith.constant 1 : i32
      %add3A_115 = arith.addi %while3A_78, %add3A_114 : i32
      %lt3A_116 = arith.cmpi slt, %add3A_115, %add3A_4 : i32
      %convert_element_type3A_117 = arith.extui %lt3A_116 : i1 to i32
      %cond3A_118 = arith.constant 0 : i32
      %cond3A_119 = arith.cmpi ne, %convert_element_type3A_117, %cond3A_118 : i32
      scf.if %cond3A_119 {
        %dma_start3A_150 = arith.constant 0 : i32
        %dma_start3A_151 = arith.constant 0 : i32
        %dma_start3A_152 = arith.constant 0 : i32
        %dma_start3A_153 = tpu.memref_slice %arg7[%rem3A_84, %dma_start3A_151, %dma_start3A_152] : memref<3x128x128xf32, #tpu.memory_space<vmem>> -> memref<1x128x128xf32, #tpu.memory_space<vmem>>
        %dma_start3A_154 = tpu.memref_squeeze %dma_start3A_153 : memref<1x128x128xf32, #tpu.memory_space<vmem>> -> memref<128x128xf32, #tpu.memory_space<vmem>>
        %dma_start3A_155 = arith.constant 0 : i32
        %dma_start3A_156 = tpu.memref_slice %arg6[%rem3A_92, %dma_start3A_150, %dma_start3A_155] : memref<4x2x128xi32, #tpu.memory_space<vmem>> -> memref<1x1x128xi32, #tpu.memory_space<vmem>>
        %dma_start3A_157 = tpu.memref_squeeze %dma_start3A_156 : memref<1x1x128xi32, #tpu.memory_space<vmem>> -> memref<128xi32, #tpu.memory_space<vmem>>
        %dma_start3A_158 = arith.constant 0 : i32
        %dma_start3A_159 = arith.constant 0 : i32
        %dma_start3A_160 = tpu.memref_slice %arg2[%dma_start3A_158, %dma_start3A_159] : memref<10000x128xf32, #tpu.memory_space<hbm>> -> memref<10000x128xf32, #tpu.memory_space<hbm>>
        %dma_start3A_161 = tpu.memref_slice %arg9[%rem3A_84] : memref<3x!tpu.dma_semaphore, #tpu.memory_space<semaphore_mem>> -> memref<1x!tpu.dma_semaphore, #tpu.memory_space<semaphore_mem>>
        %dma_start3A_162 = tpu.memref_squeeze %dma_start3A_161 : memref<1x!tpu.dma_semaphore, #tpu.memory_space<semaphore_mem>> -> memref<!tpu.dma_semaphore, #tpu.memory_space<semaphore_mem>>
        tpu.enqueue_indirect_dma source(%dma_start3A_160 : memref<10000x128xf32, #tpu.memory_space<hbm>>) target(%dma_start3A_154 : memref<128x128xf32, #tpu.memory_space<vmem>>) offsets(%dma_start3A_157 : memref<128xi32, #tpu.memory_space<vmem>>) semaphore(%dma_start3A_162 : memref<!tpu.dma_semaphore, #tpu.memory_space<semaphore_mem>>)
      } else {
      }
      %rem3A_120 = arith.constant 4 : i32
      %rem3A_121 = arith.remsi %while3A_78, %rem3A_120 : i32
      %dma_wait3A_122 = arith.constant 0 : i32
      %dma_wait3A_123 = arith.constant 0 : i32
      %dma_wait3A_124 = arith.constant 0 : i32
      %dma_wait3A_125 = tpu.memref_slice %arg7[%rem3A_80, %dma_wait3A_123, %dma_wait3A_124] : memref<3x128x128xf32, #tpu.memory_space<vmem>> -> memref<1x128x128xf32, #tpu.memory_space<vmem>>
      %dma_wait3A_126 = tpu.memref_squeeze %dma_wait3A_125 : memref<1x128x128xf32, #tpu.memory_space<vmem>> -> memref<128x128xf32, #tpu.memory_space<vmem>>
      %dma_wait3A_127 = arith.constant 0 : i32
      %dma_wait3A_128 = tpu.memref_slice %arg6[%rem3A_121, %dma_wait3A_122, %dma_wait3A_127] : memref<4x2x128xi32, #tpu.memory_space<vmem>> -> memref<1x1x128xi32, #tpu.memory_space<vmem>>
      %dma_wait3A_129 = tpu.memref_squeeze %dma_wait3A_128 : memref<1x1x128xi32, #tpu.memory_space<vmem>> -> memref<128xi32, #tpu.memory_space<vmem>>
      %dma_wait3A_130 = arith.constant 0 : i32
      %dma_wait3A_131 = arith.constant 0 : i32
      %dma_wait3A_132 = tpu.memref_slice %arg2[%dma_wait3A_130, %dma_wait3A_131] : memref<10000x128xf32, #tpu.memory_space<hbm>> -> memref<10000x128xf32, #tpu.memory_space<hbm>>
      %dma_wait3A_133 = tpu.memref_slice %arg9[%rem3A_80] : memref<3x!tpu.dma_semaphore, #tpu.memory_space<semaphore_mem>> -> memref<1x!tpu.dma_semaphore, #tpu.memory_space<semaphore_mem>>
      %dma_wait3A_134 = tpu.memref_squeeze %dma_wait3A_133 : memref<1x!tpu.dma_semaphore, #tpu.memory_space<semaphore_mem>> -> memref<!tpu.dma_semaphore, #tpu.memory_space<semaphore_mem>>
      tpu.wait_indirect_dma semaphore(%dma_wait3A_134 : memref<!tpu.dma_semaphore, #tpu.memory_space<semaphore_mem>>) src(%dma_wait3A_132 : memref<10000x128xf32, #tpu.memory_space<hbm>>) dst(%dma_wait3A_126 : memref<128x128xf32, #tpu.memory_space<vmem>>)
      %rem3A_135 = arith.constant 4 : i32
      %rem3A_136 = arith.remsi %while3A_78, %rem3A_135 : i32
      %dma_start3A_137 = arith.constant 1 : i32
      %dma_start3A_138 = arith.constant 0 : i32
      %dma_start3A_139 = arith.constant 0 : i32
      %dma_start3A_140 = tpu.memref_slice %arg7[%rem3A_80, %dma_start3A_138, %dma_start3A_139] : memref<3x128x128xf32, #tpu.memory_space<vmem>> -> memref<1x128x128xf32, #tpu.memory_space<vmem>>
      %dma_start3A_141 = tpu.memref_squeeze %dma_start3A_140 : memref<1x128x128xf32, #tpu.memory_space<vmem>> -> memref<128x128xf32, #tpu.memory_space<vmem>>
      %dma_start3A_142 = arith.constant 0 : i32
      %dma_start3A_143 = tpu.memref_slice %arg6[%rem3A_136, %dma_start3A_137, %dma_start3A_142] : memref<4x2x128xi32, #tpu.memory_space<vmem>> -> memref<1x1x128xi32, #tpu.memory_space<vmem>>
      %dma_start3A_144 = tpu.memref_squeeze %dma_start3A_143 : memref<1x1x128xi32, #tpu.memory_space<vmem>> -> memref<128xi32, #tpu.memory_space<vmem>>
      %dma_start3A_145 = arith.constant 0 : i32
      %dma_start3A_146 = arith.constant 0 : i32
      %dma_start3A_147 = tpu.memref_slice %arg5[%dma_start3A_145, %dma_start3A_146] : memref<10112x128xf32, #tpu.memory_space<vmem_shared>> -> memref<10112x128xf32, #tpu.memory_space<vmem_shared>>
      %dma_start3A_148 = tpu.memref_slice %arg10[%rem3A_80] : memref<3x!tpu.dma_semaphore, #tpu.memory_space<semaphore_mem>> -> memref<1x!tpu.dma_semaphore, #tpu.memory_space<semaphore_mem>>
      %dma_start3A_149 = tpu.memref_squeeze %dma_start3A_148 : memref<1x!tpu.dma_semaphore, #tpu.memory_space<semaphore_mem>> -> memref<!tpu.dma_semaphore, #tpu.memory_space<semaphore_mem>>
      tpu.enqueue_indirect_dma source(%dma_start3A_141 : memref<128x128xf32, #tpu.memory_space<vmem>>) target(%dma_start3A_147 : memref<10112x128xf32, #tpu.memory_space<vmem_shared>>) offsets(%dma_start3A_144 : memref<128xi32, #tpu.memory_space<vmem>>) semaphore(%dma_start3A_149 : memref<!tpu.dma_semaphore, #tpu.memory_space<semaphore_mem>>) {add = true}
    }
    %while3A_53 = arith.constant 1 : i32
    scf.for %while3A_78 = %while3A_51 to %while3A_47 step %while3A_53  : i32 {
      %rem3A_79 = arith.constant 3 : i32
      %rem3A_80 = arith.remsi %while3A_78, %rem3A_79 : i32
      %add3A_81 = arith.constant 1 : i32
      %add3A_82 = arith.addi %while3A_78, %add3A_81 : i32
      %rem3A_83 = arith.constant 3 : i32
      %rem3A_84 = arith.remsi %add3A_82, %rem3A_83 : i32
      %add3A_85 = arith.constant 2 : i32
      %add3A_86 = arith.addi %while3A_78, %add3A_85 : i32
      %rem3A_87 = arith.constant 4 : i32
      %rem3A_88 = arith.remsi %add3A_86, %rem3A_87 : i32
      %add3A_89 = arith.constant 1 : i32
      %add3A_90 = arith.addi %while3A_78, %add3A_89 : i32
      %rem3A_91 = arith.constant 4 : i32
      %rem3A_92 = arith.remsi %add3A_90, %rem3A_91 : i32
      %ge3A_93 = arith.constant 2 : i32
      %ge3A_94 = arith.cmpi sge, %while3A_78, %ge3A_93 : i32
      %convert_element_type3A_95 = arith.extui %ge3A_94 : i1 to i32
      %cond3A_96 = arith.constant 0 : i32
      %cond3A_97 = arith.cmpi ne, %convert_element_type3A_95, %cond3A_96 : i32
      scf.if %cond3A_97 {
        %add3A_150 = arith.constant 2 : i32
        %add3A_151 = arith.addi %while3A_78, %add3A_150 : i32
        %rem3A_152 = arith.constant 4 : i32
        %rem3A_153 = arith.remsi %add3A_151, %rem3A_152 : i32
        %dma_wait3A_154 = arith.constant 1 : i32
        %dma_wait3A_155 = arith.constant 0 : i32
        %dma_wait3A_156 = arith.constant 0 : i32
        %dma_wait3A_157 = tpu.memref_slice %arg7[%rem3A_84, %dma_wait3A_155, %dma_wait3A_156] : memref<3x128x128xf32, #tpu.memory_space<vmem>> -> memref<1x128x128xf32, #tpu.memory_space<vmem>>
        %dma_wait3A_158 = tpu.memref_squeeze %dma_wait3A_157 : memref<1x128x128xf32, #tpu.memory_space<vmem>> -> memref<128x128xf32, #tpu.memory_space<vmem>>
        %dma_wait3A_159 = arith.constant 0 : i32
        %dma_wait3A_160 = tpu.memref_slice %arg6[%rem3A_153, %dma_wait3A_154, %dma_wait3A_159] : memref<4x2x128xi32, #tpu.memory_space<vmem>> -> memref<1x1x128xi32, #tpu.memory_space<vmem>>
        %dma_wait3A_161 = tpu.memref_squeeze %dma_wait3A_160 : memref<1x1x128xi32, #tpu.memory_space<vmem>> -> memref<128xi32, #tpu.memory_space<vmem>>
        %dma_wait3A_162 = arith.constant 0 : i32
        %dma_wait3A_163 = arith.constant 0 : i32
        %dma_wait3A_164 = tpu.memref_slice %arg5[%dma_wait3A_162, %dma_wait3A_163] : memref<10112x128xf32, #tpu.memory_space<vmem_shared>> -> memref<10112x128xf32, #tpu.memory_space<vmem_shared>>
        %dma_wait3A_165 = tpu.memref_slice %arg10[%rem3A_84] : memref<3x!tpu.dma_semaphore, #tpu.memory_space<semaphore_mem>> -> memref<1x!tpu.dma_semaphore, #tpu.memory_space<semaphore_mem>>
        %dma_wait3A_166 = tpu.memref_squeeze %dma_wait3A_165 : memref<1x!tpu.dma_semaphore, #tpu.memory_space<semaphore_mem>> -> memref<!tpu.dma_semaphore, #tpu.memory_space<semaphore_mem>>
        tpu.wait_indirect_dma semaphore(%dma_wait3A_166 : memref<!tpu.dma_semaphore, #tpu.memory_space<semaphore_mem>>) src(%dma_wait3A_158 : memref<128x128xf32, #tpu.memory_space<vmem>>) dst(%dma_wait3A_164 : memref<10112x128xf32, #tpu.memory_space<vmem_shared>>)
      } else {
      }
      %add3A_98 = arith.constant 2 : i32
      %add3A_99 = arith.addi %while3A_78, %add3A_98 : i32
      %lt3A_100 = arith.cmpi slt, %add3A_99, %add3A_4 : i32
      %convert_element_type3A_101 = arith.extui %lt3A_100 : i1 to i32
      %cond3A_102 = arith.constant 0 : i32
      %cond3A_103 = arith.cmpi ne, %convert_element_type3A_101, %cond3A_102 : i32
      scf.if %cond3A_103 {
        %add3A_150 = arith.constant 2 : i32
        %add3A_151 = arith.addi %while3A_78, %add3A_150 : i32
        %mul3A_152 = arith.constant 32 : i32
        %mul3A_153 = arith.muli %add3A_151, %mul3A_152 : i32
        %add3A_154 = arith.addi %add3A, %mul3A_153 : i32
        %mul3A_155 = arith.constant 128 : i32
        %mul3A_156 = arith.muli %add3A_154, %mul3A_155 : i32
        %dma_start3A_157 = arith.constant 0 : i32
        %dma_start3A_158 = arith.constant 0 : i32
        %dma_start3A_159 = tpu.memref_slice %arg6[%rem3A_88, %dma_start3A_157, %dma_start3A_158] : memref<4x2x128xi32, #tpu.memory_space<vmem>> -> memref<1x2x128xi32, #tpu.memory_space<vmem>>
        %dma_start3A_160 = tpu.memref_squeeze %dma_start3A_159 : memref<1x2x128xi32, #tpu.memory_space<vmem>> -> memref<2x128xi32, #tpu.memory_space<vmem>>
        %dma_start3A_161 = arith.constant 0 : i32
        %dma_start3A_162 = tpu.memref_slice %arg3[%dma_start3A_161, %mul3A_156] : memref<2x320000xi32, #tpu.memory_space<hbm>> -> memref<2x128xi32, #tpu.memory_space<hbm>>
        %dma_start3A_163 = tpu.memref_slice %arg8[%rem3A_88] : memref<4x!tpu.dma_semaphore, #tpu.memory_space<semaphore_mem>> -> memref<1x!tpu.dma_semaphore, #tpu.memory_space<semaphore_mem>>
        %dma_start3A_164 = tpu.memref_squeeze %dma_start3A_163 : memref<1x!tpu.dma_semaphore, #tpu.memory_space<semaphore_mem>> -> memref<!tpu.dma_semaphore, #tpu.memory_space<semaphore_mem>>
        %dma_start3A_165 = arith.constant 0 : i32
        %dma_start3A_166 = arith.constant 0 : i32
        %dma_start3A_167 = tpu.memref_slice %arg6[%rem3A_88, %dma_start3A_165, %dma_start3A_166] : memref<4x2x128xi32, #tpu.memory_space<vmem>> -> memref<1x2x128xi32, #tpu.memory_space<vmem>>
        %dma_start3A_168 = tpu.memref_squeeze %dma_start3A_167 : memref<1x2x128xi32, #tpu.memory_space<vmem>> -> memref<2x128xi32, #tpu.memory_space<vmem>>
        %dma_start3A_169 = arith.constant 0 : i32
        %dma_start3A_170 = tpu.memref_slice %arg3[%dma_start3A_169, %mul3A_156] : memref<2x320000xi32, #tpu.memory_space<hbm>> -> memref<2x128xi32, #tpu.memory_space<hbm>>
        tpu.enqueue_dma source(%dma_start3A_170 : memref<2x128xi32, #tpu.memory_space<hbm>>) target(%dma_start3A_168 : memref<2x128xi32, #tpu.memory_space<vmem>>) target_semaphore(%dma_start3A_164 : memref<!tpu.dma_semaphore, #tpu.memory_space<semaphore_mem>>)
      } else {
      }
      %add3A_104 = arith.constant 1 : i32
      %add3A_105 = arith.addi %while3A_78, %add3A_104 : i32
      %lt3A_106 = arith.cmpi slt, %add3A_105, %add3A_4 : i32
      %add3A_107 = arith.constant 1 : i32
      %add3A_108 = arith.addi %while3A_78, %add3A_107 : i32
      %ge3A_109 = arith.constant 2 : i32
      %ge3A_110 = arith.cmpi sge, %add3A_108, %ge3A_109 : i32
      %and3A = arith.andi %lt3A_106, %ge3A_110 : i1
      %convert_element_type3A_111 = arith.extui %and3A : i1 to i32
      %cond3A_112 = arith.constant 0 : i32
      %cond3A_113 = arith.cmpi ne, %convert_element_type3A_111, %cond3A_112 : i32
      scf.if %cond3A_113 {
        %add3A_150 = arith.constant 1 : i32
        %add3A_151 = arith.addi %while3A_78, %add3A_150 : i32
        %mul3A_152 = arith.constant 32 : i32
        %mul3A_153 = arith.muli %add3A_151, %mul3A_152 : i32
        %add3A_154 = arith.addi %add3A, %mul3A_153 : i32
        %mul3A_155 = arith.constant 128 : i32
        %mul3A_156 = arith.muli %add3A_154, %mul3A_155 : i32
        %dma_wait3A_157 = arith.constant 0 : i32
        %dma_wait3A_158 = arith.constant 0 : i32
        %dma_wait3A_159 = tpu.memref_slice %arg6[%rem3A_92, %dma_wait3A_157, %dma_wait3A_158] : memref<4x2x128xi32, #tpu.memory_space<vmem>> -> memref<1x2x128xi32, #tpu.memory_space<vmem>>
        %dma_wait3A_160 = tpu.memref_squeeze %dma_wait3A_159 : memref<1x2x128xi32, #tpu.memory_space<vmem>> -> memref<2x128xi32, #tpu.memory_space<vmem>>
        %dma_wait3A_161 = arith.constant 0 : i32
        %dma_wait3A_162 = tpu.memref_slice %arg3[%dma_wait3A_161, %mul3A_156] : memref<2x320000xi32, #tpu.memory_space<hbm>> -> memref<2x128xi32, #tpu.memory_space<hbm>>
        %dma_wait3A_163 = tpu.memref_slice %arg8[%rem3A_92] : memref<4x!tpu.dma_semaphore, #tpu.memory_space<semaphore_mem>> -> memref<1x!tpu.dma_semaphore, #tpu.memory_space<semaphore_mem>>
        %dma_wait3A_164 = tpu.memref_squeeze %dma_wait3A_163 : memref<1x!tpu.dma_semaphore, #tpu.memory_space<semaphore_mem>> -> memref<!tpu.dma_semaphore, #tpu.memory_space<semaphore_mem>>
        %dma_wait3A_165 = arith.constant 0 : i32
        %dma_wait3A_166 = arith.constant 0 : i32
        %dma_wait3A_167 = tpu.memref_slice %arg6[%rem3A_92, %dma_wait3A_165, %dma_wait3A_166] : memref<4x2x128xi32, #tpu.memory_space<vmem>> -> memref<1x2x128xi32, #tpu.memory_space<vmem>>
        %dma_wait3A_168 = tpu.memref_squeeze %dma_wait3A_167 : memref<1x2x128xi32, #tpu.memory_space<vmem>> -> memref<2x128xi32, #tpu.memory_space<vmem>>
        %dma_wait3A_169 = arith.constant 0 : i32
        %dma_wait3A_170 = tpu.memref_slice %arg3[%dma_wait3A_169, %mul3A_156] : memref<2x320000xi32, #tpu.memory_space<hbm>> -> memref<2x128xi32, #tpu.memory_space<hbm>>
        tpu.wait_dma2 semaphore(%dma_wait3A_164 : memref<!tpu.dma_semaphore, #tpu.memory_space<semaphore_mem>>) src(%dma_wait3A_170 : memref<2x128xi32, #tpu.memory_space<hbm>>) dst(%dma_wait3A_168 : memref<2x128xi32, #tpu.memory_space<vmem>>)
      } else {
      }
      %add3A_114 = arith.constant 1 : i32
      %add3A_115 = arith.addi %while3A_78, %add3A_114 : i32
      %lt3A_116 = arith.cmpi slt, %add3A_115, %add3A_4 : i32
      %convert_element_type3A_117 = arith.extui %lt3A_116 : i1 to i32
      %cond3A_118 = arith.constant 0 : i32
      %cond3A_119 = arith.cmpi ne, %convert_element_type3A_117, %cond3A_118 : i32
      scf.if %cond3A_119 {
        %dma_start3A_150 = arith.constant 0 : i32
        %dma_start3A_151 = arith.constant 0 : i32
        %dma_start3A_152 = arith.constant 0 : i32
        %dma_start3A_153 = tpu.memref_slice %arg7[%rem3A_84, %dma_start3A_151, %dma_start3A_152] : memref<3x128x128xf32, #tpu.memory_space<vmem>> -> memref<1x128x128xf32, #tpu.memory_space<vmem>>
        %dma_start3A_154 = tpu.memref_squeeze %dma_start3A_153 : memref<1x128x128xf32, #tpu.memory_space<vmem>> -> memref<128x128xf32, #tpu.memory_space<vmem>>
        %dma_start3A_155 = arith.constant 0 : i32
        %dma_start3A_156 = tpu.memref_slice %arg6[%rem3A_92, %dma_start3A_150, %dma_start3A_155] : memref<4x2x128xi32, #tpu.memory_space<vmem>> -> memref<1x1x128xi32, #tpu.memory_space<vmem>>
        %dma_start3A_157 = tpu.memref_squeeze %dma_start3A_156 : memref<1x1x128xi32, #tpu.memory_space<vmem>> -> memref<128xi32, #tpu.memory_space<vmem>>
        %dma_start3A_158 = arith.constant 0 : i32
        %dma_start3A_159 = arith.constant 0 : i32
        %dma_start3A_160 = tpu.memref_slice %arg2[%dma_start3A_158, %dma_start3A_159] : memref<10000x128xf32, #tpu.memory_space<hbm>> -> memref<10000x128xf32, #tpu.memory_space<hbm>>
        %dma_start3A_161 = tpu.memref_slice %arg9[%rem3A_84] : memref<3x!tpu.dma_semaphore, #tpu.memory_space<semaphore_mem>> -> memref<1x!tpu.dma_semaphore, #tpu.memory_space<semaphore_mem>>
        %dma_start3A_162 = tpu.memref_squeeze %dma_start3A_161 : memref<1x!tpu.dma_semaphore, #tpu.memory_space<semaphore_mem>> -> memref<!tpu.dma_semaphore, #tpu.memory_space<semaphore_mem>>
        tpu.enqueue_indirect_dma source(%dma_start3A_160 : memref<10000x128xf32, #tpu.memory_space<hbm>>) target(%dma_start3A_154 : memref<128x128xf32, #tpu.memory_space<vmem>>) offsets(%dma_start3A_157 : memref<128xi32, #tpu.memory_space<vmem>>) semaphore(%dma_start3A_162 : memref<!tpu.dma_semaphore, #tpu.memory_space<semaphore_mem>>)
      } else {
      }
      %rem3A_120 = arith.constant 4 : i32
      %rem3A_121 = arith.remsi %while3A_78, %rem3A_120 : i32
      %dma_wait3A_122 = arith.constant 0 : i32
      %dma_wait3A_123 = arith.constant 0 : i32
      %dma_wait3A_124 = arith.constant 0 : i32
      %dma_wait3A_125 = tpu.memref_slice %arg7[%rem3A_80, %dma_wait3A_123, %dma_wait3A_124] : memref<3x128x128xf32, #tpu.memory_space<vmem>> -> memref<1x128x128xf32, #tpu.memory_space<vmem>>
      %dma_wait3A_126 = tpu.memref_squeeze %dma_wait3A_125 : memref<1x128x128xf32, #tpu.memory_space<vmem>> -> memref<128x128xf32, #tpu.memory_space<vmem>>
      %dma_wait3A_127 = arith.constant 0 : i32
      %dma_wait3A_128 = tpu.memref_slice %arg6[%rem3A_121, %dma_wait3A_122, %dma_wait3A_127] : memref<4x2x128xi32, #tpu.memory_space<vmem>> -> memref<1x1x128xi32, #tpu.memory_space<vmem>>
      %dma_wait3A_129 = tpu.memref_squeeze %dma_wait3A_128 : memref<1x1x128xi32, #tpu.memory_space<vmem>> -> memref<128xi32, #tpu.memory_space<vmem>>
      %dma_wait3A_130 = arith.constant 0 : i32
      %dma_wait3A_131 = arith.constant 0 : i32
      %dma_wait3A_132 = tpu.memref_slice %arg2[%dma_wait3A_130, %dma_wait3A_131] : memref<10000x128xf32, #tpu.memory_space<hbm>> -> memref<10000x128xf32, #tpu.memory_space<hbm>>
      %dma_wait3A_133 = tpu.memref_slice %arg9[%rem3A_80] : memref<3x!tpu.dma_semaphore, #tpu.memory_space<semaphore_mem>> -> memref<1x!tpu.dma_semaphore, #tpu.memory_space<semaphore_mem>>
      %dma_wait3A_134 = tpu.memref_squeeze %dma_wait3A_133 : memref<1x!tpu.dma_semaphore, #tpu.memory_space<semaphore_mem>> -> memref<!tpu.dma_semaphore, #tpu.memory_space<semaphore_mem>>
      tpu.wait_indirect_dma semaphore(%dma_wait3A_134 : memref<!tpu.dma_semaphore, #tpu.memory_space<semaphore_mem>>) src(%dma_wait3A_132 : memref<10000x128xf32, #tpu.memory_space<hbm>>) dst(%dma_wait3A_126 : memref<128x128xf32, #tpu.memory_space<vmem>>)
      %rem3A_135 = arith.constant 4 : i32
      %rem3A_136 = arith.remsi %while3A_78, %rem3A_135 : i32
      %dma_start3A_137 = arith.constant 1 : i32
      %dma_start3A_138 = arith.constant 0 : i32
      %dma_start3A_139 = arith.constant 0 : i32
      %dma_start3A_140 = tpu.memref_slice %arg7[%rem3A_80, %dma_start3A_138, %dma_start3A_139] : memref<3x128x128xf32, #tpu.memory_space<vmem>> -> memref<1x128x128xf32, #tpu.memory_space<vmem>>
      %dma_start3A_141 = tpu.memref_squeeze %dma_start3A_140 : memref<1x128x128xf32, #tpu.memory_space<vmem>> -> memref<128x128xf32, #tpu.memory_space<vmem>>
      %dma_start3A_142 = arith.constant 0 : i32
      %dma_start3A_143 = tpu.memref_slice %arg6[%rem3A_136, %dma_start3A_137, %dma_start3A_142] : memref<4x2x128xi32, #tpu.memory_space<vmem>> -> memref<1x1x128xi32, #tpu.memory_space<vmem>>
      %dma_start3A_144 = tpu.memref_squeeze %dma_start3A_143 : memref<1x1x128xi32, #tpu.memory_space<vmem>> -> memref<128xi32, #tpu.memory_space<vmem>>
      %dma_start3A_145 = arith.constant 0 : i32
      %dma_start3A_146 = arith.constant 0 : i32
      %dma_start3A_147 = tpu.memref_slice %arg5[%dma_start3A_145, %dma_start3A_146] : memref<10112x128xf32, #tpu.memory_space<vmem_shared>> -> memref<10112x128xf32, #tpu.memory_space<vmem_shared>>
      %dma_start3A_148 = tpu.memref_slice %arg10[%rem3A_80] : memref<3x!tpu.dma_semaphore, #tpu.memory_space<semaphore_mem>> -> memref<1x!tpu.dma_semaphore, #tpu.memory_space<semaphore_mem>>
      %dma_start3A_149 = tpu.memref_squeeze %dma_start3A_148 : memref<1x!tpu.dma_semaphore, #tpu.memory_space<semaphore_mem>> -> memref<!tpu.dma_semaphore, #tpu.memory_space<semaphore_mem>>
      tpu.enqueue_indirect_dma source(%dma_start3A_141 : memref<128x128xf32, #tpu.memory_space<vmem>>) target(%dma_start3A_147 : memref<10112x128xf32, #tpu.memory_space<vmem_shared>>) offsets(%dma_start3A_144 : memref<128xi32, #tpu.memory_space<vmem>>) semaphore(%dma_start3A_149 : memref<!tpu.dma_semaphore, #tpu.memory_space<semaphore_mem>>) {add = true}
    }
    %ge3A = arith.constant 2 : i32
    %ge3A_54 = arith.cmpi sge, %add3A_4, %ge3A : i32
    %convert_element_type3A_55 = arith.extui %ge3A_54 : i1 to i32
    %cond3A_56 = arith.constant 0 : i32
    %cond3A_57 = arith.cmpi ne, %convert_element_type3A_55, %cond3A_56 : i32
    scf.if %cond3A_57 {
      %add3A_78 = arith.constant 2 : i32
      %add3A_79 = arith.addi %add3A_4, %add3A_78 : i32
      %add3A_80 = arith.constant 1 : i32
      %add3A_81 = arith.addi %add3A_4, %add3A_80 : i32
      %rem3A_82 = arith.constant 3 : i32
      %rem3A_83 = arith.remsi %add3A_81, %rem3A_82 : i32
      %rem3A_84 = arith.constant 4 : i32
      %rem3A_85 = arith.remsi %add3A_79, %rem3A_84 : i32
      %dma_wait3A_86 = arith.constant 1 : i32
      %dma_wait3A_87 = arith.constant 0 : i32
      %dma_wait3A_88 = arith.constant 0 : i32
      %dma_wait3A_89 = tpu.memref_slice %arg7[%rem3A_83, %dma_wait3A_87, %dma_wait3A_88] : memref<3x128x128xf32, #tpu.memory_space<vmem>> -> memref<1x128x128xf32, #tpu.memory_space<vmem>>
      %dma_wait3A_90 = tpu.memref_squeeze %dma_wait3A_89 : memref<1x128x128xf32, #tpu.memory_space<vmem>> -> memref<128x128xf32, #tpu.memory_space<vmem>>
      %dma_wait3A_91 = arith.constant 0 : i32
      %dma_wait3A_92 = tpu.memref_slice %arg6[%rem3A_85, %dma_wait3A_86, %dma_wait3A_91] : memref<4x2x128xi32, #tpu.memory_space<vmem>> -> memref<1x1x128xi32, #tpu.memory_space<vmem>>
      %dma_wait3A_93 = tpu.memref_squeeze %dma_wait3A_92 : memref<1x1x128xi32, #tpu.memory_space<vmem>> -> memref<128xi32, #tpu.memory_space<vmem>>
      %dma_wait3A_94 = arith.constant 0 : i32
      %dma_wait3A_95 = arith.constant 0 : i32
      %dma_wait3A_96 = tpu.memref_slice %arg5[%dma_wait3A_94, %dma_wait3A_95] : memref<10112x128xf32, #tpu.memory_space<vmem_shared>> -> memref<10112x128xf32, #tpu.memory_space<vmem_shared>>
      %dma_wait3A_97 = tpu.memref_slice %arg10[%rem3A_83] : memref<3x!tpu.dma_semaphore, #tpu.memory_space<semaphore_mem>> -> memref<1x!tpu.dma_semaphore, #tpu.memory_space<semaphore_mem>>
      %dma_wait3A_98 = tpu.memref_squeeze %dma_wait3A_97 : memref<1x!tpu.dma_semaphore, #tpu.memory_space<semaphore_mem>> -> memref<!tpu.dma_semaphore, #tpu.memory_space<semaphore_mem>>
      tpu.wait_indirect_dma semaphore(%dma_wait3A_98 : memref<!tpu.dma_semaphore, #tpu.memory_space<semaphore_mem>>) src(%dma_wait3A_90 : memref<128x128xf32, #tpu.memory_space<vmem>>) dst(%dma_wait3A_96 : memref<10112x128xf32, #tpu.memory_space<vmem_shared>>)
    } else {
    }
    %add3A_58 = arith.constant 3 : i32
    %add3A_59 = arith.addi %add3A_4, %add3A_58 : i32
    %add3A_60 = arith.constant 2 : i32
    %add3A_61 = arith.addi %add3A_4, %add3A_60 : i32
    %rem3A = arith.constant 3 : i32
    %rem3A_62 = arith.remsi %add3A_61, %rem3A : i32
    %rem3A_63 = arith.constant 4 : i32
    %rem3A_64 = arith.remsi %add3A_59, %rem3A_63 : i32
    %dma_wait3A = arith.constant 1 : i32
    %dma_wait3A_65 = arith.constant 0 : i32
    %dma_wait3A_66 = arith.constant 0 : i32
    %dma_wait3A_67 = tpu.memref_slice %arg7[%rem3A_62, %dma_wait3A_65, %dma_wait3A_66] : memref<3x128x128xf32, #tpu.memory_space<vmem>> -> memref<1x128x128xf32, #tpu.memory_space<vmem>>
    %dma_wait3A_68 = tpu.memref_squeeze %dma_wait3A_67 : memref<1x128x128xf32, #tpu.memory_space<vmem>> -> memref<128x128xf32, #tpu.memory_space<vmem>>
    %dma_wait3A_69 = arith.constant 0 : i32
    %dma_wait3A_70 = tpu.memref_slice %arg6[%rem3A_64, %dma_wait3A, %dma_wait3A_69] : memref<4x2x128xi32, #tpu.memory_space<vmem>> -> memref<1x1x128xi32, #tpu.memory_space<vmem>>
    %dma_wait3A_71 = tpu.memref_squeeze %dma_wait3A_70 : memref<1x1x128xi32, #tpu.memory_space<vmem>> -> memref<128xi32, #tpu.memory_space<vmem>>
    %dma_wait3A_72 = arith.constant 0 : i32
    %dma_wait3A_73 = arith.constant 0 : i32
    %dma_wait3A_74 = tpu.memref_slice %arg5[%dma_wait3A_72, %dma_wait3A_73] : memref<10112x128xf32, #tpu.memory_space<vmem_shared>> -> memref<10112x128xf32, #tpu.memory_space<vmem_shared>>
    %dma_wait3A_75 = tpu.memref_slice %arg10[%rem3A_62] : memref<3x!tpu.dma_semaphore, #tpu.memory_space<semaphore_mem>> -> memref<1x!tpu.dma_semaphore, #tpu.memory_space<semaphore_mem>>
    %dma_wait3A_76 = tpu.memref_squeeze %dma_wait3A_75 : memref<1x!tpu.dma_semaphore, #tpu.memory_space<semaphore_mem>> -> memref<!tpu.dma_semaphore, #tpu.memory_space<semaphore_mem>>
    tpu.wait_indirect_dma semaphore(%dma_wait3A_76 : memref<!tpu.dma_semaphore, #tpu.memory_space<semaphore_mem>>) src(%dma_wait3A_68 : memref<128x128xf32, #tpu.memory_space<vmem>>) dst(%dma_wait3A_74 : memref<10112x128xf32, #tpu.memory_space<vmem_shared>>)
    %barrier3A_77 = arith.constant 0 : index
    tpu.barrier barrier_id(%barrier3A_77)
    "tpu.region"() ({
      %run_scoped3A_78 = tpu.sem_alloc : memref<!tpu.dma_semaphore, #tpu.memory_space<semaphore_mem>>
      %dma_start3A_79 = arith.constant 0 : i32
      %dma_start3A_80 = tpu.memref_slice %arg4[%arg0, %mul3A_30, %dma_start3A_79] : memref<2x10112x128xf32, #tpu.memory_space<hbm>> -> memref<1x632x128xf32, #tpu.memory_space<hbm>>
      %dma_start3A_81 = tpu.memref_squeeze %dma_start3A_80 : memref<1x632x128xf32, #tpu.memory_space<hbm>> -> memref<632x128xf32, #tpu.memory_space<hbm>>
      %dma_start3A_82 = arith.constant 0 : i32
      %dma_start3A_83 = tpu.memref_slice %arg5[%mul3A_30, %dma_start3A_82] : memref<10112x128xf32, #tpu.memory_space<vmem_shared>> -> memref<632x128xf32, #tpu.memory_space<vmem_shared>>
      tpu.enqueue_dma source(%dma_start3A_83 : memref<632x128xf32, #tpu.memory_space<vmem_shared>>) target(%dma_start3A_81 : memref<632x128xf32, #tpu.memory_space<hbm>>) target_semaphore(%run_scoped3A_78 : memref<!tpu.dma_semaphore, #tpu.memory_space<semaphore_mem>>)
      %dma_wait3A_84 = arith.constant 0 : i32
      %dma_wait3A_85 = tpu.memref_slice %arg4[%arg0, %mul3A_30, %dma_wait3A_84] : memref<2x10112x128xf32, #tpu.memory_space<hbm>> -> memref<1x632x128xf32, #tpu.memory_space<hbm>>
      %dma_wait3A_86 = tpu.memref_squeeze %dma_wait3A_85 : memref<1x632x128xf32, #tpu.memory_space<hbm>> -> memref<632x128xf32, #tpu.memory_space<hbm>>
      %dma_wait3A_87 = arith.constant 0 : i32
      %dma_wait3A_88 = tpu.memref_slice %arg5[%mul3A_30, %dma_wait3A_87] : memref<10112x128xf32, #tpu.memory_space<vmem_shared>> -> memref<632x128xf32, #tpu.memory_space<vmem_shared>>
      tpu.wait_dma2 semaphore(%run_scoped3A_78 : memref<!tpu.dma_semaphore, #tpu.memory_space<semaphore_mem>>) src(%dma_wait3A_88 : memref<632x128xf32, #tpu.memory_space<vmem_shared>>) dst(%dma_wait3A_86 : memref<632x128xf32, #tpu.memory_space<hbm>>)
      tpu.yield
    }) : () -> ()
    return
  }
}

module attributes {stable_mosaic.version = 14 : i64} {
  func.func @_matmul_body(%arg0: i32, %arg1: memref<2048x128xf32, #tpu.memory_space<vmem>>, %arg2: memref<128x128xf32, #tpu.memory_space<vmem>>, %arg3: memref<1x128xf32, #tpu.memory_space<vmem>>, %arg4: memref<1x16x2048xi32, #tpu.memory_space<vmem>>, %arg5: memref<2048x128xf32, #tpu.memory_space<vmem>>, %arg6: memref<2048x128xf32, #tpu.memory_space<vmem>>) attributes {dimension_semantics = [#tpu.dimension_semantics<arbitrary>], iteration_bounds = array<i64: 5>, scalar_prefetch = 0 : i64, scratch_operands = 0 : i64, tpu.core_type = #tpu.core_type<tc>, window_params = [{transform_indices = @transform_0, window_bounds = array<i64: 2048, 128>}, {pipeline_mode = #tpu.pipeline_mode<synchronous>, transform_indices = @transform_1, window_bounds = array<i64: 128, 128>}, {pipeline_mode = #tpu.pipeline_mode<synchronous>, transform_indices = @transform_2, window_bounds = array<i64: 1, 128>}, {transform_indices = @transform_3, window_bounds = array<i64: 1, 16, 2048>}, {transform_indices = @transform_4, window_bounds = array<i64: 2048, 128>}, {transform_indices = @transform_5, window_bounds = array<i64: 2048, 128>}]} {
    %get3A = arith.constant 0 : index
    %get3A_0 = arith.constant 0 : index
    %get3A_1 = vector.load %arg1[%get3A, %get3A_0] : memref<2048x128xf32, #tpu.memory_space<vmem>>, vector<2048x128xf32>
    %get3A_2 = arith.constant 0 : index
    %get3A_3 = arith.constant 0 : index
    %get3A_4 = vector.load %arg2[%get3A_2, %get3A_3] : memref<128x128xf32, #tpu.memory_space<vmem>>, vector<128x128xf32>
    %dot_general3A = arith.constant dense<0.000000e+00> : vector<2048x128xf32>
    %dot_general3A_5 = tpu.matmul %get3A_1, %get3A_4, %dot_general3A {dimension_numbers = #tpu.dot_dimension_numbers<[1], [1], [0], [0], [0, 0, 1, 0], [], []>, transpose_lhs_hint = false} : vector<2048x128xf32>, vector<128x128xf32>, vector<2048x128xf32> -> vector<2048x128xf32>
    %get3A_6 = arith.constant 0 : index
    %get3A_7 = arith.constant 0 : index
    %get3A_8 = vector.load %arg3[%get3A_6, %get3A_7] : memref<1x128xf32, #tpu.memory_space<vmem>>, vector<1x128xf32>
    %add3A = vector.broadcast %get3A_8 : vector<1x128xf32> to vector<2048x128xf32>
    %add3A_9 = arith.addf %dot_general3A_5, %add3A : vector<2048x128xf32>
    %get3A_10 = arith.constant 0 : index
    %get3A_11 = arith.constant 0 : index
    %get3A_12 = arith.constant 0 : index
    %get3A_13 = vector.load %arg4[%get3A_10, %get3A_11, %get3A_12] : memref<1x16x2048xi32, #tpu.memory_space<vmem>>, vector<1x16x2048xi32>
    %get3A_14 = vector.shape_cast %get3A_13 : vector<1x16x2048xi32> to vector<16x2048xi32>
    %reduce_sum3A = arith.constant dense<0> : vector<2048xi32>
    %reduce_sum3A_15 = vector.multi_reduction <add>, %get3A_14, %reduce_sum3A [0] : vector<16x2048xi32> to vector<2048xi32>
    %max3A = arith.constant 1 : i32
    %max3A_16 = vector.broadcast %max3A : i32 to vector<2048xi32>
    %max3A_17 = arith.maxsi %reduce_sum3A_15, %max3A_16 : vector<2048xi32>
    %convert_element_type3A = arith.sitofp %max3A_17 : vector<2048xi32> to vector<2048xf32>
    %rsqrt3A = math.rsqrt %convert_element_type3A : vector<2048xf32>
    %swap3A = arith.constant 0 : index
    %swap3A_18 = arith.constant 0 : index
    %swap3A_19 = vector.load %arg5[%swap3A, %swap3A_18] : memref<2048x128xf32, #tpu.memory_space<vmem>>, vector<2048x128xf32>
    tpu.vector_store %arg5[%swap3A, %swap3A_18], %add3A_9 {strides = array<i32>} : memref<2048x128xf32, #tpu.memory_space<vmem>>, vector<2048x128xf32>,
    %broadcast_in_dim3A = vector.shape_cast %rsqrt3A : vector<2048xf32> to vector<2048x1xf32>
    %mul3A = vector.broadcast %broadcast_in_dim3A : vector<2048x1xf32> to vector<2048x128xf32>
    %mul3A_20 = arith.mulf %add3A_9, %mul3A : vector<2048x128xf32>
    %swap3A_21 = arith.constant 0 : index
    %swap3A_22 = arith.constant 0 : index
    %swap3A_23 = vector.load %arg6[%swap3A_21, %swap3A_22] : memref<2048x128xf32, #tpu.memory_space<vmem>>, vector<2048x128xf32>
    tpu.vector_store %arg6[%swap3A_21, %swap3A_22], %mul3A_20 {strides = array<i32>} : memref<2048x128xf32, #tpu.memory_space<vmem>>, vector<2048x128xf32>,
    return
  }
  func.func @transform_0(%arg0: i32) -> (i32, i32) {
    %c0_i32 = arith.constant 0 : i32
    %c0_i32_0 = arith.constant 0 : i32
    return %arg0, %c0_i32 : i32, i32
  }
  func.func @transform_1(%arg0: i32) -> (i32, i32) {
    %c0_i32 = arith.constant 0 : i32
    %c0_i32_0 = arith.constant 0 : i32
    %c0_i32_1 = arith.constant 0 : i32
    return %c0_i32, %c0_i32_0 : i32, i32
  }
  func.func @transform_2(%arg0: i32) -> (i32, i32) {
    %c0_i32 = arith.constant 0 : i32
    %c0_i32_0 = arith.constant 0 : i32
    %c0_i32_1 = arith.constant 0 : i32
    return %c0_i32, %c0_i32_0 : i32, i32
  }
  func.func @transform_3(%arg0: i32) -> (i32, i32, i32) {
    %c0_i32 = arith.constant 0 : i32
    %c0_i32_0 = arith.constant 0 : i32
    %c0_i32_1 = arith.constant 0 : i32
    return %c0_i32, %c0_i32_0, %arg0 : i32, i32, i32
  }
  func.func @transform_4(%arg0: i32) -> (i32, i32) {
    %c0_i32 = arith.constant 0 : i32
    %c0_i32_0 = arith.constant 0 : i32
    return %arg0, %c0_i32 : i32, i32
  }
  func.func @transform_5(%arg0: i32) -> (i32, i32) {
    %c0_i32 = arith.constant 0 : i32
    %c0_i32_0 = arith.constant 0 : i32
    return %arg0, %c0_i32 : i32, i32
  }
}

module attributes {stable_mosaic.version = 14 : i64} {
  func.func @_combine_body(%arg0: i32, %arg1: memref<2048x128xf32, #tpu.memory_space<vmem>>, %arg2: memref<2x2048x128xf32, #tpu.memory_space<vmem>>, %arg3: memref<1x16x2048xi32, #tpu.memory_space<vmem>>, %arg4: memref<2048x128xf32, #tpu.memory_space<vmem>>) attributes {dimension_semantics = [#tpu.dimension_semantics<arbitrary>], iteration_bounds = array<i64: 5>, scalar_prefetch = 0 : i64, scratch_operands = 0 : i64, tpu.core_type = #tpu.core_type<tc>, window_params = [{transform_indices = @transform_0, window_bounds = array<i64: 2048, 128>}, {transform_indices = @transform_1, window_bounds = array<i64: 2, 2048, 128>}, {transform_indices = @transform_2, window_bounds = array<i64: 1, 16, 2048>}, {transform_indices = @transform_3, window_bounds = array<i64: 2048, 128>}]} {
    %get3A = arith.constant 0 : index
    %get3A_0 = arith.constant 0 : index
    %get3A_1 = arith.constant 0 : index
    %get3A_2 = vector.load %arg2[%get3A, %get3A_0, %get3A_1] : memref<2x2048x128xf32, #tpu.memory_space<vmem>>, vector<1x2048x128xf32>
    %get3A_3 = vector.shape_cast %get3A_2 : vector<1x2048x128xf32> to vector<2048x128xf32>
    %get3A_4 = arith.constant 1 : index
    %get3A_5 = arith.constant 0 : index
    %get3A_6 = arith.constant 0 : index
    %get3A_7 = vector.load %arg2[%get3A_4, %get3A_5, %get3A_6] : memref<2x2048x128xf32, #tpu.memory_space<vmem>>, vector<1x2048x128xf32>
    %get3A_8 = vector.shape_cast %get3A_7 : vector<1x2048x128xf32> to vector<2048x128xf32>
    %add3A = arith.addf %get3A_3, %get3A_8 : vector<2048x128xf32>
    %get3A_9 = arith.constant 0 : index
    %get3A_10 = arith.constant 0 : index
    %get3A_11 = arith.constant 0 : index
    %get3A_12 = vector.load %arg3[%get3A_9, %get3A_10, %get3A_11] : memref<1x16x2048xi32, #tpu.memory_space<vmem>>, vector<1x16x2048xi32>
    %get3A_13 = vector.shape_cast %get3A_12 : vector<1x16x2048xi32> to vector<16x2048xi32>
    %reduce_sum3A = arith.constant dense<0> : vector<2048xi32>
    %reduce_sum3A_14 = vector.multi_reduction <add>, %get3A_13, %reduce_sum3A [0] : vector<16x2048xi32> to vector<2048xi32>
    %max3A = arith.constant 1 : i32
    %max3A_15 = vector.broadcast %max3A : i32 to vector<2048xi32>
    %max3A_16 = arith.maxsi %reduce_sum3A_14, %max3A_15 : vector<2048xi32>
    %convert_element_type3A = arith.sitofp %max3A_16 : vector<2048xi32> to vector<2048xf32>
    %rsqrt3A = math.rsqrt %convert_element_type3A : vector<2048xf32>
    %mul3A = arith.constant 8.000000e-01 : f32
    %mul3A_17 = vector.broadcast %mul3A : f32 to vector<2048x128xf32>
    %mul3A_18 = arith.mulf %mul3A_17, %add3A : vector<2048x128xf32>
    %broadcast_in_dim3A = vector.shape_cast %rsqrt3A : vector<2048xf32> to vector<2048x1xf32>
    %mul3A_19 = vector.broadcast %broadcast_in_dim3A : vector<2048x1xf32> to vector<2048x128xf32>
    %mul3A_20 = arith.mulf %mul3A_18, %mul3A_19 : vector<2048x128xf32>
    %get3A_21 = arith.constant 0 : index
    %get3A_22 = arith.constant 0 : index
    %get3A_23 = vector.load %arg1[%get3A_21, %get3A_22] : memref<2048x128xf32, #tpu.memory_space<vmem>>, vector<2048x128xf32>
    %mul3A_24 = arith.constant 2.000000e-01 : f32
    %mul3A_25 = vector.broadcast %mul3A_24 : f32 to vector<2048x128xf32>
    %mul3A_26 = arith.mulf %mul3A_25, %get3A_23 : vector<2048x128xf32>
    %add3A_27 = arith.addf %mul3A_20, %mul3A_26 : vector<2048x128xf32>
    %swap3A = arith.constant 0 : index
    %swap3A_28 = arith.constant 0 : index
    %swap3A_29 = vector.load %arg4[%swap3A, %swap3A_28] : memref<2048x128xf32, #tpu.memory_space<vmem>>, vector<2048x128xf32>
    tpu.vector_store %arg4[%swap3A, %swap3A_28], %add3A_27 {strides = array<i32>} : memref<2048x128xf32, #tpu.memory_space<vmem>>, vector<2048x128xf32>,
    return
  }
  func.func @transform_0(%arg0: i32) -> (i32, i32) {
    %c0_i32 = arith.constant 0 : i32
    %c0_i32_0 = arith.constant 0 : i32
    return %arg0, %c0_i32 : i32, i32
  }
  func.func @transform_1(%arg0: i32) -> (i32, i32, i32) {
    %c0_i32 = arith.constant 0 : i32
    %c0_i32_0 = arith.constant 0 : i32
    %c0_i32_1 = arith.constant 0 : i32
    return %c0_i32, %arg0, %c0_i32_0 : i32, i32, i32
  }
  func.func @transform_2(%arg0: i32) -> (i32, i32, i32) {
    %c1_i32 = arith.constant 1 : i32
    %c0_i32 = arith.constant 0 : i32
    %c0_i32_0 = arith.constant 0 : i32
    return %c1_i32, %c0_i32, %arg0 : i32, i32, i32
  }
  func.func @transform_3(%arg0: i32) -> (i32, i32) {
    %c0_i32 = arith.constant 0 : i32
    %c0_i32_0 = arith.constant 0 : i32
    return %arg0, %c0_i32 : i32, i32
  }
}

</mosaic_0001>

<sc_bundles>
// kernel: kernel.6.cloned.1.call-start
scs
__scs_entry_jumppad:
0x0: {  	(pc) =	sbr.rel $0x88, $3  }
0x1: {  	(tag) =	ssettag $0x0;
	lr =	simm.s32 $0x1  }
0x2: {  	[smem:$0x3F9D] =	sst lr;
	_ =	strace $0xD0000000  }
0x3: {  	_ = 	snop  }
0x4: {  	_ = 	snop  }
0x5: {  	_ = 	snop  }
0x6: {  	_ = 	snop  }
0x7: {  	_ = 	snop  }
__scs_overlays_trampoline_lowered:
0x8: {  	[smem:$0x3FAC] =	sst s0  }
0x9: {  	[smem:$0x3FAD] =	sst s1  }
0xa: {  	[smem:$0x3FAE] =	sst s2  }
0xb: {  	[smem:$0x3FAF] =	sst s3  }
0xc: {  	[smem:$0x3FB0] =	sst s4  }
0xd: {  	[smem:$0x3FB1] =	sst s5  }
0xe: {  	[smem:$0x3FB2] =	sst s6  }
0xf: {  	[smem:$0x3FB3] =	sst s7  }
0x10: {  	[smem:$0x3FB4] =	sst s8  }
0x11: {  	[smem:$0x3FB5] =	sst s9;
	s0 =	simm.s32 @!p0 $0x0  }
0x12: {  	s1 =	sld [smem:$0x3F9B];
	s0 =	simm.s32 @p0 $0x1  }
0x13: {  	[smem:$0x3FB6] =	sst s0;
	s0 =	simm.s32 @!p1 $0x0  }
0x14: {  	s2 =	sld [smem:$0x3F9A];
	s0 =	simm.s32 @p1 $0x1  }
0x15: {  	[smem:$0x3FB7] =	sst s0;
	s0 =	simm.s32 @!p2 $0x0  }
0x16: {  	s3 =	sld [smem:$0x3FDB];
	s0 =	simm.s32 @p2 $0x1  }
0x17: {  	s4 =	simm.s32 $0x1BF5;
	[smem:$0x3FB9] =	sst s0  }
0x18: {  	s0 =	sld [smem:$0x3F9C];
	_ =	swait.ge [sflag:s4], $0x0  }
0x19: {  	s7 =	sld [smem:$0x3F9D]  }
0x1a: {  	s8 =	sadd.s32 $0xFFFFE003, lr  }
0x1b: {  	s9 =	sadd.s32 $0xFFFFFEF7, lr;
	s5 =	simm.s32 $0xFFFFFFFF;
	p2 =	slt.u32 s8, $0xFFFFF086  }
0x1c: {  	p1 =	slt.u32 s9, $0xF7A;
	s5 =	simm.s32 @!p2 $0x0  }
0x1d: {  	s5 =	simm.s32 @p1 $0x1;
	p0 =	seq.s32 s7, s2  }
0x1e: {  	s7 =	smul.u32 @!p0 $0xF7A, s2;
	p2 =	seq.s32 @!p0 s5, $0x0  }
0x1f: {  	s9 =	smul.u32 $0xF7A, s1;
	s8 =	simm.s32 @!p0 $0x1BF5;
	p2 =	por !p2, p0  }
0x20: {  	[sflag:s8] =	ssyncset.s32 @!p0 $0xFFFFF086;
	s6 =	sadd.s32 @!p0 s3, s7;
	s7 =	simm.s32 @!p0 $0x108  }
0x21: {  	s3 =	sadd.s32 s3, s9;
	s6 =	sadd.s32 @!p0 $0x88, s6;
	s7 =	simm.s32 @p2 $0x1082  }
0x22: {  	[simem:s7], [sflag:s8] =	dma.local @!p0 [hbm:s6], $0xF7A  }
0x23: {  	s9 =	sor.u32 $0xD0000000, s2;
	s6 =	simm.s32 $0x108;
	_ =	swait.ge @!p0 [sflag:s8], $0x0  }
0x24: {  	s3 =	sadd.s32 $0x88, s3;
	s6 =	simm.s32 @!p1 $0x1082;
	[sflag:s4] =	ssyncset.s32 $0xFFFFF086  }
0x25: {  	[simem:s6], [sflag:s4] =	dma.local [hbm:s3], $0xF7A  }
0x26: {  	[smem:$0x3F9D] =	sst s1;
	(tag) =	ssettag s2;
	_ =	strace s9  }
0x27: {  	s1 =	sld [smem:$0x3FAD]  }
0x28: {  	s2 =	sld [smem:$0x3FAE]  }
0x29: {  	s4 =	sld [smem:$0x3FB0]  }
0x2a: {  	p0 =	seq.s32 s5, $0x0;
	s5 =	sld [smem:$0x3FB1]  }
0x2b: {  	s6 =	sld [smem:$0x3FB2]  }
0x2c: {  	s7 =	sld [smem:$0x3FB3]  }
0x2d: {  	s3 =	simm.s32 $0x108;
	s8 =	sld [smem:$0x3FB4]  }
0x2e: {  	s3 =	simm.s32 @!p0 $0x1082;
	s9 =	sld [smem:$0x3FB5]  }
0x2f: {  	lr =	sadd.s32 s0, s3;
	s0 =	sld [smem:$0x3FAC]  }
0x30: {  	s3 =	sld [smem:$0x3FAF]  }
0x31: {  	[smem:$0x3FB8] =	sst s10  }
0x32: {  	s10 =	sld [smem:$0x3FB6];
	_ =	sdelay $0x3  }
0x33: {  	p0 =	seq.s32 s10, $0x1;
	s10 =	sld [smem:$0x3FB8];
	_ =	sdelay $0x3  }
0x34: {  	[smem:$0x3FB8] =	sst s10  }
0x35: {  	s10 =	sld [smem:$0x3FB7];
	_ =	sdelay $0x3  }
0x36: {  	p1 =	seq.s32 s10, $0x1;
	s10 =	sld [smem:$0x3FB8];
	_ =	sdelay $0x3  }
0x37: {  	[smem:$0x3FB8] =	sst s10  }
0x38: {  	s10 =	sld [smem:$0x3FB9]  }
0x39: {  	_ = 	snop;
	(pc) =	sbr.ind lr, $3  }
0x3a: {  	_ = 	snop  }
0x3b: {  	_ = 	snop  }
0x3c: {  	p2 =	seq.s32 s10, $0x1;
	s10 =	sld [smem:$0x3FB8]  }
0x3d: {  	_ =	shalt  }
0x3e: {  	_ =	shalt  }
0x3f: {  	_ =	shalt  }
0x40: {  	_ =	shalt  }
0x41: {  	_ =	shalt  }
0x42: {  	_ =	shalt  }
0x43: {  	_ =	shalt  }
0x44: {  	_ =	shalt  }
0x45: {  	_ =	shalt  }
0x46: {  	_ =	shalt  }
0x47: {  	_ =	shalt  }
0x48: {  	_ =	shalt  }
0x49: {  	_ =	shalt  }
0x4a: {  	_ =	shalt  }
0x4b: {  	_ =	shalt  }
0x4c: {  	_ =	shalt  }
0x4d: {  	_ =	shalt  }
0x4e: {  	_ =	shalt  }
0x4f: {  	_ =	shalt  }
0x50: {  	_ =	shalt  }
0x51: {  	_ =	shalt  }
0x52: {  	_ =	shalt  }
0x53: {  	_ =	shalt  }
0x54: {  	_ =	shalt  }
0x55: {  	_ =	shalt  }
0x56: {  	_ =	shalt  }
0x57: {  	_ =	shalt  }
0x58: {  	_ =	shalt  }
0x59: {  	_ =	shalt  }
0x5a: {  	_ =	shalt  }
0x5b: {  	_ =	shalt  }
0x5c: {  	_ =	shalt  }
0x5d: {  	_ =	shalt  }
0x5e: {  	_ =	shalt  }
0x5f: {  	_ =	shalt  }
0x60: {  	_ =	shalt  }
0x61: {  	_ =	shalt  }
0x62: {  	_ =	shalt  }
0x63: {  	_ =	shalt  }
0x64: {  	_ =	shalt  }
0x65: {  	_ =	shalt  }
0x66: {  	_ =	shalt  }
0x67: {  	_ =	shalt  }
0x68: {  	_ =	shalt  }
0x69: {  	_ =	shalt  }
0x6a: {  	_ =	shalt  }
0x6b: {  	_ =	shalt  }
0x6c: {  	_ =	shalt  }
0x6d: {  	_ =	shalt  }
0x6e: {  	_ =	shalt  }
0x6f: {  	_ =	shalt  }
0x70: {  	_ =	shalt  }
0x71: {  	_ =	shalt  }
0x72: {  	_ =	shalt  }
0x73: {  	_ =	shalt  }
0x74: {  	_ =	shalt  }
0x75: {  	_ =	shalt  }
0x76: {  	_ =	shalt  }
0x77: {  	_ =	shalt  }
0x78: {  	_ =	shalt  }
0x79: {  	_ =	shalt  }
0x7a: {  	_ =	shalt  }
0x7b: {  	_ =	shalt  }
0x7c: {  	_ =	shalt  }
0x7d: {  	_ =	shalt  }
0x7e: {  	_ =	shalt  }
0x7f: {  	_ =	shalt  }
0x80: {  	_ =	shalt  }
0x81: {  	_ =	shalt  }
0x82: {  	_ =	shalt  }
0x83: {  	_ =	shalt  }
0x84: {  	_ =	shalt  }
0x85: {  	_ =	shalt  }
0x86: {  	_ =	shalt  }
0x87: {  	_ =	shalt  }
.Lfunc_end0:
.L_simem_size_0:
called_computation_lowered:
.L_overlay_start_0:
0x88: {  	s2 =	sld [smem:$0x3FD9]  }
0x89: {  	s3 =	sld [smem:$0x3FFE];
	_ =	sdelay $0x1  }
0x8a: {  	s1 =	srdreg.scid  }
0x8b: {  	s0 =	sand.u32 $0x1, s1  }
0x8c: {  	s18 =	sshll.u32 s0, $0xA;
	s2 =	sadd.s32 s3, s2  }
0x8d: {  	s2 =	sadd.s32 s2, s18  }
0x8e: {  	[smem:$0x3FC4] =	sst s2  }
0x8f: {  	_ = 	snop  }
0x90: {  	s2 =	sld [smem:$0x3FC8]  }
0x91: {  	s19 =	sld [smem:$0x3FD0];
	(tm) =	ssettm $0x1  }
0x92: {  	s4 =	sld [smem:$0x3FFB];
	_ =	sdelay $0x3  }
0x93: {  	_ =	strace s4  }
0x94: {  	s4 =	sld [smem:$0x3FFC];
	_ =	sdelay $0x3  }
0x95: {  	_ =	strace s4  }
0x96: {  	s4 =	sld [smem:$0x3FFD];
	_ =	sdelay $0x3  }
0x97: {  	_ =	strace s4  }
0x98: {  	_ =	strace $0x8FFFFFFF  }
0x99: {  	s20 =	sld [smem:$0x3FDB];
	_ =	sdelay $0x1  }
0x9a: {  	s5 =	simm.s32 $_scs_section_size  }
0x9b: {  	s6 =	simm.s32 $_size__tile_overlayer_lowered;
	s7 =	simm.s32 $_tile_overlayer_lowered  }
0x9c: {  	s23 =	simm.s32 $0x1BFF;
	s22 =	sshll.u32 s7, $0x1;
	s4 =	sadd.s32 s5, s20  }
0x9d: {  	s8 =	simm.s32 $0x0;
	s21 =	sshll.u32 s6, $0x1;
	s6 =	sadd.s32 s22, s4  }
0x9e: {  	[timem:s8], [sflag:s23] =	dma.local [hbm:s6], s21  }
0x9f: {  	_ =	swait.ge [sflag:s23], s21  }
0xa0: {  	s5 =	ssub.s32 $0x0, s21;
	[sflag:s23] =	ssyncset.done $0x0  }
0xa1: {  	[sflag:s23] =	ssyncadd.s32 s5;
	_ =	sdelay $0x1  }
0xa2: {  	s24 =	simm.s32 $0x1B8B  }
0xa3: {  	_ =	swait.ge [sflag:s24], $0x1  }
0xa4: {  	[sflag:s24] =	ssyncset.done $0x0  }
0xa5: {  	s25 =	simm.s32 $0x1B8E;
	[sflag:s24] =	ssyncadd.s32 $0xFFFFFFFF  }
0xa6: {  	s26 =	simm.s32 $execute0_lowered;
	[smem:$0x3FD2] =	sst s25  }
0xa7: {  	s5 =	sshll.u32 s26, $0x1;
	_ =	strace $0x80000046;
	[dreg:$0x1] =	wrdreg $0xFFFFFFFF  }
0xa8: {  	s28 =	simm.s32 $_size_execute0_lowered;
	s4 =	sadd.s32 s4, s5;
	[dreg:$0x0] =	wrdreg $0x0  }
0xa9: {  	s5 =	sshll.u32 s28, $0x1;
	[dreg:$0x2] =	wrdreg s4  }
0xaa: {  	[dreg:$0x3] =	wrdreg s5  }
0xab: {  	[dreg:$0x4] =	wrdreg $0xC0  }
0xac: {  	_ =	task [dreg:s8], $0x5FFFF  }
0xad: {  	[dreg:$0x1] =	wrdreg $0xFFFFFFFF  }
0xae: {  	[dreg:$0x0] =	wrdreg $0x60  }
0xaf: {  	[dreg:$0x2] =	wrdreg s2  }
0xb0: {  	[dreg:$0x3] =	wrdreg s19  }
0xb1: {  	[dreg:$0x4] =	wrdreg $0x9  }
0xb2: {  	_ =	task.clear_ibuf [dreg:s8], $0x5FFFF;
	_ =	strace $0x90000046  }
0xb3: {  	s29 =	simm.s32 $0x9;
	_ =	strace $0x80000048  }
0xb4: {  	_ =	swait.ge [sflag:s29], $0x1  }
0xb5: {  	[sflag:s29] =	ssyncadd.s32 $0xFFFFFFFF  }
0xb6: {  	_ =	strace $0x90000048  }
0xb7: {  	_ =	sfence  }
0xb8: {  	s30 =	sld [smem:$0x0];
	_ =	sdelay $0x2  }
0xb9: {  	s31 =	sshll.u32 s1, $0xD;
	s1 =	sshrl.u32 s1, $0x2  }
0xba: {  	s3 =	sand.u32 $0x4000, s31;
	s1 =	sadd.s32 s1, s30  }
0xbb: {  	s0 =	sor.u32 s3, s0;
	s1 =	sshll.u32 s1, $0x11  }
0xbc: {  	s0 =	sor.u32 s1, s0  }
0xbd: {  	s0 =	sadd.s32 $0x8F2B, s0  }
0xbe: {  	[sflag:s0] =	ssyncadd.remote.s32 $0x1  }
0xbf: {  	_ =	sfence.sel $0xFFFF  }
0xc0: {  	[dreg:$0x0] =	wrdreg $0xFFFFFFFF;
	(pc) =	sbr.abs _section_cstart, $3  }
0xc1: {  	[dreg:$0x1] =	wrdreg $0xFFFFFFFF  }
0xc2: {  	_ =	task.clear_ibuf [dreg:s8], $0x2FFFF;
	_ =	strace $0x9FFFFFFF  }
0xc3: {  	(tm) =	ssettm $0x7FFFFFFF  }
tec
execute0_lowered:
.L_overlay_start_1:
0x0: {  	(tag) =	ssettag $0x1  }
0x1: {  	s3 =	rddreg [dreg:$0x0]  }
0x2: {  	s5 =	rddreg [dreg:$0x1]  }
0x3: {  	s0 =	rddreg [dreg:$0x2]  }
0x4: {  	s4 =	srdreg.scid;
	s1 =	stileid.u32  }
0x5: {  	s2 =	simm.s32 $0x0;
	s6 =	sand.u32 $0x1, s4;
	s26 =	smul.u32 $0x9C, s1  }
0x6: {  	[smem:$0x7FF] =	sst s2;
	s8 =	sshrl.u32 s1, $0x3;
	s9 =	smin.u32 s1, $0x4  }
0x7: {  	s28 =	sshll.u32 s1, $0x7;
	p0 =	sgt.u32 s1, $0x3;
	s7 =	smul.u32 $0x28000, s6  }
0x8: {  	_ =	strace $0x80000047;
	s8 =	smul.u32 $0x14000, s8;
	s10 =	ssub.s32 $0x2, s6  }
0x9: {  	s29 =	sand.u32 $0x380, s28;
	s11 =	sshll.u32 s6, $0x7;
	s4 =	sadd.s32 s9, s26  }
0xa: {  	s30 =	sshrl.u32 s10, $0x1;
	s9 =	simm.s32 $0x80;
	v2 =	vmov s11;
	s11 =	simm.s32 $0x0  }
0xb: {  	s4 =	sshll.u32 s4, $0x5;
	s7 =	sadd.s32 s7, s8;
	s31 =	ssub.s32 s10, s30  }
0xc: {  	s8 =	simm.s32 $0x9D00;
	s10 =	simm.s32 $0x400;
	s7 =	sor.u32 s29, s7  }
0xd: {  	s3 =	sadd.s32 s3, s4;
	s6 =	smax.u32 s31, $0x1;
	s7 =	sshrl.u32 s7, $0x3  }
0xe: {  	v0 =	vimm.s32 $0x0;
	v1 =	vimm.s32 $0x1;
	s4 =	sadd.s32 $0x1380, s3;
	s5 =	sadd.s32 s5, s7;
	s7 =	simm.s32 $0x1  }
.LBB2_1:
0xf: {  	[tilespmem:s2], [sflag:$0x1] =	stream.linear.gather [hbm4b:s3+s2], $0x9C00, $0x38;
	[tilespmem:$0xC500] =	vst v63  }
0x10: {  	_ =	swait.ge [sflag:s7], $0x9C00  }
0x11: {  	[sflag:s7] =	ssyncset.done $0x0  }
0x12: {  	s12 =	simm.s32 @!p0 $0x0;
	s13 =	simm.s32 @!p0 $0x9C00;
	[sflag:s7] =	ssyncadd.s32 $0xFFFF6400  }
0x13: {  	[tilespmem:s13], [sflag:$0x1] =	stream.linear.gather @!p0 [hbm4b:s4+s12], $0x100, $0x38;
	[tilespmem:$0xC500] =	vst v63  }
0x14: {  	s12 =	simm.s32 @!p0 $0x1  }
0x15: {  	_ =	swait.ge @!p0 [sflag:s12], $0x100  }
0x16: {  	[sflag:s12] =	ssyncset.done @!p0 $0x0  }
0x17: {  	[sflag:s12] =	ssyncadd.s32 @!p0 $0xFFFFFF00;
	s12 =	simm.s32 @!p0 $0x13A  }
0x18: {  	s14 =	simm.s32 $0x200;
	s13 =	simm.s32 $0x0;
	s12 =	simm.s32 @p0 $0x138  }
.LBB2_2:
0x19: {  	p1 =	sne.s32 s14, $0x9E00;
	[tilespmem:s13+$0x9D70] =	vst v0  }
0x1a: {  	[tilespmem:s13+$0x9D00] =	vst v0  }
0x1b: {  	[tilespmem:s13+$0x9D10] =	vst v0  }
.Ltmp0:
0x1c: {  	[tilespmem:s13+$0x9D20] =	vst v0;
	(pc) =	sbr.rel @p1 .LBB2_2-.Ltmp0, $4  }
0x1d: {  	[tilespmem:s13+$0x9D30] =	vst v0  }
0x1e: {  	[tilespmem:s13+$0x9D40] =	vst v0  }
0x1f: {  	[tilespmem:s13+$0x9D50] =	vst v0  }
0x20: {  	[tilespmem:s13+$0x9D60] =	vst v0;
	s13 =	sshra.s32 s14, $0x2;
	s14 =	sadd.s32 $0x200, s14  }
0x21: {  	[tilespmem:s13+$0x9D70] =	vst v0  }
0x22: {  	[tilespmem:s13+$0x9D00] =	vst v0  }
0x23: {  	[tilespmem:s13+$0x9D10] =	vst v0  }
0x24: {  	[tilespmem:s13+$0x9D20] =	vst v0  }
0x25: {  	[tilespmem:s13+$0x9D30] =	vst v0  }
0x26: {  	[tilespmem:s13+$0x9D40] =	vst v0  }
0x27: {  	[tilespmem:s13+$0x9D50] =	vst v0  }
0x28: {  	[tilespmem:s13+$0x9D60] =	vst v0;
	s12 =	sshll.u32 s12, $0x6;
	s13 =	simm.s32 $0x0;
	s14 =	simm.s32 $0x0  }
.LBB2_4:
0x29: {  	s15 =	sand.u32 $0x40, s14;
	s16 =	sand.u32 $0xFFFFFF00, s13  }
0x2a: {  	s15 =	sor.u32 s15, s16  }
0x2b: {  	v3 =	vld.idx.msk [tilespmem:v2+s15+$0x0 ss:$0x1], $0xffff;
	_ =	sdelay $0x7  }
0x2c: {  	[tilespmem:v3+s8+$0x0] =	vst.idx.add.s32.msk $0xffff, v1  }
0x2d: {  	v3 =	vld.idx.msk [tilespmem:v2+s15+$0x10 ss:$0x1], $0xffff;
	_ =	sdelay $0x7  }
0x2e: {  	[tilespmem:v3+s8+$0x0] =	vst.idx.add.s32.msk $0xffff, v1  }
0x2f: {  	v3 =	vld.idx.msk [tilespmem:v2+s15+$0x20 ss:$0x1], $0xffff;
	_ =	sdelay $0x7  }
0x30: {  	[tilespmem:v3+s8+$0x0] =	vst.idx.add.s32.msk $0xffff, v1  }
0x31: {  	v3 =	vld.idx.msk [tilespmem:v2+s15+$0x30 ss:$0x1], $0xffff;
	_ =	sdelay $0x1  }
0x32: {  	s14 =	sadd.s32 $0x40, s14  }
0x33: {  	p1 =	sne.s32 s12, s14  }
.Ltmp1:
0x34: {  	_ = 	snop;
	(pc) =	sbr.rel @p1 .LBB2_4-.Ltmp1, $2  }
0x35: {  	_ =	sdelay $0x2  }
0x36: {  	s13 =	sadd.s32 $0x80, s13;
	[tilespmem:v3+s8+$0x0] =	vst.idx.add.s32.msk $0xffff, v1  }
0x37: {  	s11 =	sadd.s32 $0x1, s11  }
0x38: {  	p1 =	sne.s32 s11, s6  }
.Ltmp2:
0x39: {  	_ = 	snop;
	(pc) =	sbr.rel @p1 .LBB2_1-.Ltmp2, $4  }
0x3a: {  	[hbm4b:s5+s9] =	stream.strided.scatter [tilespmem:s8], [sflag:$0x1], $0x2800, s10, s9, $0x38;
	[tilespmem:$0xC500] =	vst v63  }
0x3b: {  	_ =	swait.ge [sflag:s7], $0x2800  }
0x3c: {  	[sflag:s7] =	ssyncset.done $0x0  }
0x3d: {  	[sflag:s7] =	ssyncadd.s32 $0xFFFFD800  }
0x3e: {  	_ =	sfence.sel $0x180000  }
0x3f: {  	[bflag:$0x0] =	sbarrier.arrive $0xFFFF  }
0x40: {  	p0 =	sne.s32 s1, $0x0;
	_ =	strace $0x90000047  }
0x41: {  	s0 =	sadd.s32 @!p0 $0x100000, s0;
	[bflag:$0x2] =	sbarrier.arrive $0xFFFF  }
0x42: {  	[sflag:s0] =	ssyncadd.tile.s32 @!p0 $0x1;
	_ =	shalt  }
.Lfunc_end2:
_tile_overlayer_lowered:
.L_overlay_start_2:
0x43: {  	(tag) =	ssettag $0x2  }
0x44: {  	s0 =	rddreg [dreg:$0x0];
	s2 =	stileid.u32  }
0x45: {  	s1 =	rddreg [dreg:$0x1];
	p0 =	sne.s32 s2, $0x0  }
0x46: {  	s3 =	rddreg [dreg:$0x2];
	[bflag:$0x3] =	sbarrier.arrive $0xFFFF;
	s2 =	simm.s32 @!p0 $0x1C01  }
0x47: {  	[timem:s3], [sflag:s2] =	dma.local @!p0 [hbm:s0], s1  }
0x48: {  	s0 =	simm.s32 @!p0 $0x1  }
0x49: {  	_ =	swait.ge @!p0 [sflag:s0], s1  }
0x4a: {  	s1 =	ssub.s32 @!p0 $0x0, s1;
	[sflag:s0] =	ssyncset.done @!p0 $0x0  }
0x4b: {  	[sflag:s0] =	ssyncadd.s32 @!p0 s1  }
0x4c: {  	[bflag:$0x3] =	sbarrier.arrive $0xFFFF  }
0x4d: {  	_ =	shalt  }

// kernel: kernel.9.cloned.1.call-start
scs
__scs_entry_jumppad:
0x0: {  	(pc) =	sbr.rel $0x88, $3  }
0x1: {  	(tag) =	ssettag $0x0;
	lr =	simm.s32 $0x1  }
0x2: {  	[smem:$0x3F9D] =	sst lr;
	_ =	strace $0xD0000000  }
0x3: {  	_ = 	snop  }
0x4: {  	_ = 	snop  }
0x5: {  	_ = 	snop  }
0x6: {  	_ = 	snop  }
0x7: {  	_ = 	snop  }
__scs_overlays_trampoline_lowered:
0x8: {  	[smem:$0x3FAC] =	sst s0  }
0x9: {  	[smem:$0x3FAD] =	sst s1  }
0xa: {  	[smem:$0x3FAE] =	sst s2  }
0xb: {  	[smem:$0x3FAF] =	sst s3  }
0xc: {  	[smem:$0x3FB0] =	sst s4  }
0xd: {  	[smem:$0x3FB1] =	sst s5  }
0xe: {  	[smem:$0x3FB2] =	sst s6  }
0xf: {  	[smem:$0x3FB3] =	sst s7  }
0x10: {  	[smem:$0x3FB4] =	sst s8  }
0x11: {  	[smem:$0x3FB5] =	sst s9;
	s0 =	simm.s32 @!p0 $0x0  }
0x12: {  	s1 =	sld [smem:$0x3F9B];
	s0 =	simm.s32 @p0 $0x1  }
0x13: {  	[smem:$0x3FB6] =	sst s0;
	s0 =	simm.s32 @!p1 $0x0  }
0x14: {  	s2 =	sld [smem:$0x3F9A];
	s0 =	simm.s32 @p1 $0x1  }
0x15: {  	[smem:$0x3FB7] =	sst s0;
	s0 =	simm.s32 @!p2 $0x0  }
0x16: {  	s3 =	sld [smem:$0x3FDB];
	s0 =	simm.s32 @p2 $0x1  }
0x17: {  	s4 =	simm.s32 $0x1BF5;
	[smem:$0x3FB9] =	sst s0  }
0x18: {  	s0 =	sld [smem:$0x3F9C];
	_ =	swait.ge [sflag:s4], $0x0  }
0x19: {  	s7 =	sld [smem:$0x3F9D]  }
0x1a: {  	s8 =	sadd.s32 $0xFFFFE003, lr  }
0x1b: {  	s9 =	sadd.s32 $0xFFFFFEF7, lr;
	s5 =	simm.s32 $0xFFFFFFFF;
	p2 =	slt.u32 s8, $0xFFFFF086  }
0x1c: {  	p1 =	slt.u32 s9, $0xF7A;
	s5 =	simm.s32 @!p2 $0x0  }
0x1d: {  	s5 =	simm.s32 @p1 $0x1;
	p0 =	seq.s32 s7, s2  }
0x1e: {  	s7 =	smul.u32 @!p0 $0xF7A, s2;
	p2 =	seq.s32 @!p0 s5, $0x0  }
0x1f: {  	s9 =	smul.u32 $0xF7A, s1;
	s8 =	simm.s32 @!p0 $0x1BF5;
	p2 =	por !p2, p0  }
0x20: {  	[sflag:s8] =	ssyncset.s32 @!p0 $0xFFFFF086;
	s6 =	sadd.s32 @!p0 s3, s7;
	s7 =	simm.s32 @!p0 $0x108  }
0x21: {  	s3 =	sadd.s32 s3, s9;
	s6 =	sadd.s32 @!p0 $0x88, s6;
	s7 =	simm.s32 @p2 $0x1082  }
0x22: {  	[simem:s7], [sflag:s8] =	dma.local @!p0 [hbm:s6], $0xF7A  }
0x23: {  	s9 =	sor.u32 $0xD0000000, s2;
	s6 =	simm.s32 $0x108;
	_ =	swait.ge @!p0 [sflag:s8], $0x0  }
0x24: {  	s3 =	sadd.s32 $0x88, s3;
	s6 =	simm.s32 @!p1 $0x1082;
	[sflag:s4] =	ssyncset.s32 $0xFFFFF086  }
0x25: {  	[simem:s6], [sflag:s4] =	dma.local [hbm:s3], $0xF7A  }
0x26: {  	[smem:$0x3F9D] =	sst s1;
	(tag) =	ssettag s2;
	_ =	strace s9  }
0x27: {  	s1 =	sld [smem:$0x3FAD]  }
0x28: {  	s2 =	sld [smem:$0x3FAE]  }
0x29: {  	s4 =	sld [smem:$0x3FB0]  }
0x2a: {  	p0 =	seq.s32 s5, $0x0;
	s5 =	sld [smem:$0x3FB1]  }
0x2b: {  	s6 =	sld [smem:$0x3FB2]  }
0x2c: {  	s7 =	sld [smem:$0x3FB3]  }
0x2d: {  	s3 =	simm.s32 $0x108;
	s8 =	sld [smem:$0x3FB4]  }
0x2e: {  	s3 =	simm.s32 @!p0 $0x1082;
	s9 =	sld [smem:$0x3FB5]  }
0x2f: {  	lr =	sadd.s32 s0, s3;
	s0 =	sld [smem:$0x3FAC]  }
0x30: {  	s3 =	sld [smem:$0x3FAF]  }
0x31: {  	[smem:$0x3FB8] =	sst s10  }
0x32: {  	s10 =	sld [smem:$0x3FB6];
	_ =	sdelay $0x3  }
0x33: {  	p0 =	seq.s32 s10, $0x1;
	s10 =	sld [smem:$0x3FB8];
	_ =	sdelay $0x3  }
0x34: {  	[smem:$0x3FB8] =	sst s10  }
0x35: {  	s10 =	sld [smem:$0x3FB7];
	_ =	sdelay $0x3  }
0x36: {  	p1 =	seq.s32 s10, $0x1;
	s10 =	sld [smem:$0x3FB8];
	_ =	sdelay $0x3  }
0x37: {  	[smem:$0x3FB8] =	sst s10  }
0x38: {  	s10 =	sld [smem:$0x3FB9]  }
0x39: {  	_ = 	snop;
	(pc) =	sbr.ind lr, $3  }
0x3a: {  	_ = 	snop  }
0x3b: {  	_ = 	snop  }
0x3c: {  	p2 =	seq.s32 s10, $0x1;
	s10 =	sld [smem:$0x3FB8]  }
0x3d: {  	_ =	shalt  }
0x3e: {  	_ =	shalt  }
0x3f: {  	_ =	shalt  }
0x40: {  	_ =	shalt  }
0x41: {  	_ =	shalt  }
0x42: {  	_ =	shalt  }
0x43: {  	_ =	shalt  }
0x44: {  	_ =	shalt  }
0x45: {  	_ =	shalt  }
0x46: {  	_ =	shalt  }
0x47: {  	_ =	shalt  }
0x48: {  	_ =	shalt  }
0x49: {  	_ =	shalt  }
0x4a: {  	_ =	shalt  }
0x4b: {  	_ =	shalt  }
0x4c: {  	_ =	shalt  }
0x4d: {  	_ =	shalt  }
0x4e: {  	_ =	shalt  }
0x4f: {  	_ =	shalt  }
0x50: {  	_ =	shalt  }
0x51: {  	_ =	shalt  }
0x52: {  	_ =	shalt  }
0x53: {  	_ =	shalt  }
0x54: {  	_ =	shalt  }
0x55: {  	_ =	shalt  }
0x56: {  	_ =	shalt  }
0x57: {  	_ =	shalt  }
0x58: {  	_ =	shalt  }
0x59: {  	_ =	shalt  }
0x5a: {  	_ =	shalt  }
0x5b: {  	_ =	shalt  }
0x5c: {  	_ =	shalt  }
0x5d: {  	_ =	shalt  }
0x5e: {  	_ =	shalt  }
0x5f: {  	_ =	shalt  }
0x60: {  	_ =	shalt  }
0x61: {  	_ =	shalt  }
0x62: {  	_ =	shalt  }
0x63: {  	_ =	shalt  }
0x64: {  	_ =	shalt  }
0x65: {  	_ =	shalt  }
0x66: {  	_ =	shalt  }
0x67: {  	_ =	shalt  }
0x68: {  	_ =	shalt  }
0x69: {  	_ =	shalt  }
0x6a: {  	_ =	shalt  }
0x6b: {  	_ =	shalt  }
0x6c: {  	_ =	shalt  }
0x6d: {  	_ =	shalt  }
0x6e: {  	_ =	shalt  }
0x6f: {  	_ =	shalt  }
0x70: {  	_ =	shalt  }
0x71: {  	_ =	shalt  }
0x72: {  	_ =	shalt  }
0x73: {  	_ =	shalt  }
0x74: {  	_ =	shalt  }
0x75: {  	_ =	shalt  }
0x76: {  	_ =	shalt  }
0x77: {  	_ =	shalt  }
0x78: {  	_ =	shalt  }
0x79: {  	_ =	shalt  }
0x7a: {  	_ =	shalt  }
0x7b: {  	_ =	shalt  }
0x7c: {  	_ =	shalt  }
0x7d: {  	_ =	shalt  }
0x7e: {  	_ =	shalt  }
0x7f: {  	_ =	shalt  }
0x80: {  	_ =	shalt  }
0x81: {  	_ =	shalt  }
0x82: {  	_ =	shalt  }
0x83: {  	_ =	shalt  }
0x84: {  	_ =	shalt  }
0x85: {  	_ =	shalt  }
0x86: {  	_ =	shalt  }
0x87: {  	_ =	shalt  }
.Lfunc_end0:
.L_simem_size_0:
called_computation.1_lowered:
.L_overlay_start_0:
0x88: {  	s2 =	sld [smem:$0x3FD9]  }
0x89: {  	s3 =	sld [smem:$0x3FFE];
	_ =	sdelay $0x1  }
0x8a: {  	s1 =	srdreg.scid  }
0x8b: {  	s0 =	sand.u32 $0x1, s1  }
0x8c: {  	s17 =	sshll.u32 s0, $0xA;
	s2 =	sadd.s32 s3, s2  }
0x8d: {  	s2 =	sadd.s32 s2, s17  }
0x8e: {  	[smem:$0x3FC4] =	sst s2  }
0x8f: {  	_ = 	snop  }
0x90: {  	s2 =	sld [smem:$0x3FC8]  }
0x91: {  	s18 =	sld [smem:$0x3FD0];
	(tm) =	ssettm $0x1  }
0x92: {  	s4 =	sld [smem:$0x3FFB];
	_ =	sdelay $0x3  }
0x93: {  	_ =	strace s4  }
0x94: {  	s4 =	sld [smem:$0x3FFC];
	_ =	sdelay $0x3  }
0x95: {  	_ =	strace s4  }
0x96: {  	s4 =	sld [smem:$0x3FFD];
	_ =	sdelay $0x3  }
0x97: {  	_ =	strace s4  }
0x98: {  	_ =	strace $0x8FFFFFFF  }
0x99: {  	s19 =	sld [smem:$0x3FDB];
	_ =	sdelay $0x1  }
0x9a: {  	s5 =	simm.s32 $_scs_section_size  }
0x9b: {  	s6 =	simm.s32 $_size__tile_overlayer_lowered;
	s7 =	simm.s32 $_tile_overlayer_lowered  }
0x9c: {  	s22 =	simm.s32 $0x1BFF;
	s21 =	sshll.u32 s7, $0x1;
	s4 =	sadd.s32 s5, s19  }
0x9d: {  	s8 =	simm.s32 $0x0;
	s20 =	sshll.u32 s6, $0x1;
	s6 =	sadd.s32 s21, s4  }
0x9e: {  	[timem:s8], [sflag:s22] =	dma.local [hbm:s6], s20  }
0x9f: {  	_ =	swait.ge [sflag:s22], s20  }
0xa0: {  	s5 =	ssub.s32 $0x0, s20;
	[sflag:s22] =	ssyncset.done $0x0  }
0xa1: {  	[sflag:s22] =	ssyncadd.s32 s5;
	_ =	sdelay $0x1  }
0xa2: {  	s23 =	simm.s32 $0x1B8B  }
0xa3: {  	_ =	swait.ge [sflag:s23], $0x1  }
0xa4: {  	[sflag:s23] =	ssyncset.done $0x0  }
0xa5: {  	s25 =	simm.s32 $0x1B8E;
	s24 =	sld [smem:$0x3FFE];
	[sflag:s23] =	ssyncadd.s32 $0xFFFFFFFF  }
0xa6: {  	s26 =	simm.s32 $execute0_lowered;
	[smem:$0x3FD2] =	sst s25  }
0xa7: {  	s6 =	sshll.u32 s26, $0x1;
	_ =	strace $0x80000049;
	[dreg:$0x1] =	wrdreg $0xFFFFFFFF  }
0xa8: {  	s28 =	simm.s32 $_size_execute0_lowered;
	s4 =	sadd.s32 s4, s6;
	[dreg:$0x0] =	wrdreg $0x0  }
0xa9: {  	s6 =	sshll.u32 s28, $0x1;
	[dreg:$0x2] =	wrdreg s4  }
0xaa: {  	[dreg:$0x3] =	wrdreg s6  }
0xab: {  	[dreg:$0x4] =	wrdreg $0xC0  }
0xac: {  	_ =	task [dreg:s8], $0x5FFFF  }
0xad: {  	[dreg:$0x1] =	wrdreg $0xFFFFFFFF  }
0xae: {  	[dreg:$0x0] =	wrdreg $0x60  }
0xaf: {  	[dreg:$0x2] =	wrdreg s18  }
0xb0: {  	[dreg:$0x3] =	wrdreg s2  }
0xb1: {  	[dreg:$0x4] =	wrdreg s24  }
0xb2: {  	[dreg:$0x5] =	wrdreg $0x0  }
0xb3: {  	[dreg:$0x6] =	wrdreg $0x9  }
0xb4: {  	_ =	task.clear_ibuf [dreg:s8], $0x7FFFF;
	_ =	strace $0x90000049  }
0xb5: {  	s29 =	simm.s32 $0x9;
	_ =	strace $0x8000004B  }
0xb6: {  	_ =	swait.ge [sflag:s29], $0x1  }
0xb7: {  	[sflag:s29] =	ssyncadd.s32 $0xFFFFFFFF  }
0xb8: {  	_ =	strace $0x9000004B  }
0xb9: {  	_ =	sfence  }
0xba: {  	s30 =	sld [smem:$0x0];
	_ =	sdelay $0x2  }
0xbb: {  	s31 =	sshll.u32 s1, $0xD;
	s1 =	sshrl.u32 s1, $0x2  }
0xbc: {  	s3 =	sand.u32 $0x4000, s31;
	s1 =	sadd.s32 s1, s30  }
0xbd: {  	s0 =	sor.u32 s3, s0;
	s1 =	sshll.u32 s1, $0x11  }
0xbe: {  	s0 =	sor.u32 s1, s0  }
0xbf: {  	s0 =	sadd.s32 $0x8F2B, s0  }
0xc0: {  	[sflag:s0] =	ssyncadd.remote.s32 $0x1  }
0xc1: {  	_ =	sfence.sel $0xFFFF  }
0xc2: {  	[dreg:$0x0] =	wrdreg $0xFFFFFFFF;
	(pc) =	sbr.abs _section_cstart, $3  }
0xc3: {  	[dreg:$0x1] =	wrdreg $0xFFFFFFFF  }
0xc4: {  	_ =	task.clear_ibuf [dreg:s8], $0x2FFFF;
	_ =	strace $0x9FFFFFFF  }
0xc5: {  	(tm) =	ssettm $0x7FFFFFFF  }
tec
execute0_lowered:
.L_overlay_start_1:
0x0: {  	(tag) =	ssettag $0x1  }
0x1: {  	s1 =	rddreg [dreg:$0x0]  }
0x2: {  	s0 =	srdreg.scid;
	s2 =	rddreg [dreg:$0x1]  }
0x3: {  	s10 =	stileid.u32;
	s5 =	rddreg [dreg:$0x2]  }
0x4: {  	s3 =	rddreg [dreg:$0x3];
	s7 =	simm.s32 $0x0;
	s14 =	simm.s32 $0xA  }
0x5: {  	s15 =	simm.s32 $0x8;
	s19 =	simm.s32 $0xB;
	s20 =	simm.s32 $0x80  }
0x6: {  	s0 =	sand.u32 $0x1, s0;
	s6 =	smul.u32 $0x13C00, s10;
	[smem:$0x7FF] =	sst s7  }
0x7: {  	s9 =	sshll.u32 s10, $0x6;
	s8 =	smul.u32 $0x4F000, s10;
	p0 =	slt.u32 s10, $0x2  }
0x8: {  	s26 =	sshll.u32 s10, $0x9;
	s4 =	smul.u32 $0x13C000, s0;
	s22 =	ssub.s32 $0x2, s0  }
0x9: {  	_ =	strace $0x8000004A;
	s24 =	sshll.u32 s0, $0x5;
	[dreg:$0x6] =	wrdreg s9  }
0xa: {  	s0 =	sshll.u32 s0, $0x8;
	s14 =	simm.s32 @!p0 $0x9;
	s15 =	simm.s32 @!p0 $0xA  }
0xb: {  	s23 =	sshrl.u32 s22, $0x1;
	s7 =	sor.u32 s24, s9;
	s8 =	sshrl.u32 s8, $0x2  }
0xc: {  	s0 =	sor.u32 s0, s26;
	s24 =	simm.s32 $0x0;
	s7 =	sadd.s32 s2, s7  }
0xd: {  	s9 =	sadd.s32 s8, s3;
	[dreg:$0x7] =	wrdreg s7;
	s7 =	sadd.s32 $0x400, s7  }
0xe: {  	s4 =	sadd.s32 s6, s4;
	s25 =	sadd.s32 $0x4000, s9;
	[dreg:$0x8] =	wrdreg s7  }
0xf: {  	s0 =	sor.u32 $0x4000, s0;
	s28 =	sadd.s32 $0x8000, s9;
	[dreg:$0x9] =	wrdreg s25  }
0x10: {  	s4 =	sshrl.u32 s4, $0x3;
	s29 =	sadd.s32 $0xC000, s9;
	[dreg:$0xa] =	wrdreg s28  }
0x11: {  	s30 =	sadd.s32 $0x10000, s9;
	s0 =	sshrl.u32 s0, $0x3;
	[dreg:$0xb] =	wrdreg s29  }
0x12: {  	s4 =	sadd.s32 s4, s5;
	[dreg:$0xc] =	wrdreg s30;
	s0 =	sadd.s32 s0, s2  }
0x13: {  	s5 =	ssub.s32 s22, s23;
	s4 =	sadd.s32 $0x1600, s4;
	[dreg:$0x5] =	wrdreg s0  }
0x14: {  	s6 =	simm.s32 $0x4F;
	s31 =	smax.u32 s5, $0x1;
	[dreg:$0xd] =	wrdreg s4  }
0x15: {  	v0 =	vimm.f32 $0.0e+00;
	s6 =	simm.s32 @!p0 $0x4E;
	s23 =	simm.s32 $0x1C000;
	[dreg:$0xe] =	wrdreg s31  }
.LBB2_1:
0x16: {  	s0 =	simm.s32 $0x0;
	s2 =	rddreg [dreg:$0x7];
	s4 =	simm.s32 $0x13C00  }
0x17: {  	[tilespmem:s4], [sflag:$0xB] =	stream.linear.gather [hbm4b:s2+s0], $0x100, $0x38;
	v63 =	vld [tilespmem:$0x0]  }
0x18: {  	_ =	swait.ge [sflag:s19], $0x100  }
0x19: {  	[sflag:s19] =	ssyncset.done $0x0  }
0x1a: {  	s29 =	simm.s32 $0x14000;
	[sflag:s19] =	ssyncadd.s32 $0xFFFFFF00  }
0x1b: {  	[tilespmem:s29], [sflag:$0x5] =	stream.indirect.gather [hbm4b:s1+s20], $0x80, s4, s20, $0xb8;
	v63 =	vld [tilespmem:$0x0]  }
0x1c: {  	s31 =	simm.s32 $0x13D00;
	s30 =	rddreg [dreg:$0x8]  }
0x1d: {  	[tilespmem:s31], [sflag:$0xB] =	stream.linear.gather [hbm4b:s30+s0], $0x100, $0x38;
	v63 =	vld [tilespmem:$0x0]  }
0x1e: {  	_ =	swait.ge [sflag:s19], $0x100  }
0x1f: {  	[sflag:s19] =	ssyncset.done $0x0  }
0x20: {  	s2 =	simm.s32 $0x200;
	s0 =	simm.s32 $0x0;
	[sflag:s19] =	ssyncadd.s32 $0xFFFFFF00  }
.LBB2_2:
0x21: {  	p0 =	sne.s32 s2, $0xFE00;
	[tilespmem:s0+$0x1C070] =	vst v0  }
0x22: {  	[tilespmem:s0+$0x1C000] =	vst v0  }
0x23: {  	[tilespmem:s0+$0x1C010] =	vst v0  }
.Ltmp0:
0x24: {  	[tilespmem:s0+$0x1C020] =	vst v0;
	(pc) =	sbr.rel @p0 .LBB2_2-.Ltmp0, $4  }
0x25: {  	[tilespmem:s0+$0x1C030] =	vst v0  }
0x26: {  	[tilespmem:s0+$0x1C040] =	vst v0  }
0x27: {  	[tilespmem:s0+$0x1C050] =	vst v0  }
0x28: {  	[tilespmem:s0+$0x1C060] =	vst v0;
	s0 =	sshra.s32 s2, $0x2;
	s2 =	sadd.s32 $0x200, s2  }
0x29: {  	[tilespmem:s0+$0x1C070] =	vst v0  }
0x2a: {  	[tilespmem:s0+$0x1C000] =	vst v0  }
0x2b: {  	[tilespmem:s0+$0x1C010] =	vst v0  }
0x2c: {  	[tilespmem:s0+$0x1C020] =	vst v0  }
0x2d: {  	[tilespmem:s0+$0x1C030] =	vst v0  }
0x2e: {  	[tilespmem:s0+$0x1C040] =	vst v0  }
0x2f: {  	[tilespmem:s0+$0x1C050] =	vst v0  }
0x30: {  	[tilespmem:s0+$0x1C060] =	vst v0;
	s12 =	simm.s32 $0x1  }
0x31: {  	[spmem:s9] =	stream.linear.scatter [tilespmem:s23], [sflag:$0xB], $0x4000, $0x38;
	v63 =	vld [tilespmem:$0x0]  }
0x32: {  	s4 =	simm.s32 $0x0;
	s25 =	simm.s32 $0x14000;
	_ =	swait.ge [sflag:s19], $0x4000  }
0x33: {  	s26 =	simm.s32 $0x1;
	p0 =	sne.s32 s6, $0x1;
	[sflag:s19] =	ssyncset.done $0x0  }
0x34: {  	s28 =	simm.s32 $0x18000;
	s7 =	rddreg [dreg:$0x9];
	[sflag:s19] =	ssyncadd.s32 $0xFFFFC000  }
0x35: {  	[spmem:s7] =	stream.linear.scatter [tilespmem:s23], [sflag:$0xB], $0x4000, $0x38;
	v63 =	vld [tilespmem:$0x0]  }
0x36: {  	s29 =	simm.s32 $0x4;
	s30 =	simm.s32 $0x1C000;
	_ =	swait.ge [sflag:s19], $0x4000  }
0x37: {  	s31 =	simm.s32 $0x2;
	p2 =	por $0x1, $0x1;
	[sflag:s19] =	ssyncset.done $0x0  }
0x38: {  	s0 =	smulhi.u32 $0xAAAAAAAB, s12;
	s8 =	rddreg [dreg:$0xa];
	[sflag:s19] =	ssyncadd.s32 $0xFFFFC000  }
0x39: {  	[spmem:s8] =	stream.linear.scatter [tilespmem:s23], [sflag:$0xB], $0x4000, $0x38;
	v63 =	vld [tilespmem:$0x0]  }
0x3a: {  	p1 =	por $0x1, $0x1;
	s22 =	simm.s32 $0x2;
	_ =	swait.ge [sflag:s19], $0x4000  }
0x3b: {  	p3 =	sle.u32 s6, $0x2;
	s2 =	sshrl.u32 s0, $0x1;
	[sflag:s19] =	ssyncset.done $0x0  }
0x3c: {  	s5 =	smul.u32 $0xFFFFFFF4, s2;
	s10 =	rddreg [dreg:$0xb];
	[sflag:s19] =	ssyncadd.s32 $0xFFFFC000  }
0x3d: {  	[spmem:s10] =	stream.linear.scatter [tilespmem:s23], [sflag:$0xB], $0x4000, $0x38;
	v63 =	vld [tilespmem:$0x0]  }
0x3e: {  	s0 =	simm.s32 $0x0;
	s5 =	sshra.s32 s5, $0x2;
	_ =	swait.ge [sflag:s19], $0x4000  }
0x3f: {  	s8 =	smul.u32 $0xFFFD0000, s2;
	s10 =	sand.u32 $0xC00, s4;
	[sflag:s19] =	ssyncset.done $0x0  }
0x40: {  	s4 =	smulhi.u32 $0xAAAAAAAB, s4;
	s11 =	rddreg [dreg:$0xc];
	[sflag:s19] =	ssyncadd.s32 $0xFFFFC000  }
0x41: {  	[spmem:s11] =	stream.linear.scatter [tilespmem:s23], [sflag:$0xB], $0x3C00, $0x38;
	v63 =	vld [tilespmem:$0x0]  }
0x42: {  	s2 =	simm.s32 $0x400;
	s8 =	sshra.s32 s8, $0x2;
	_ =	swait.ge [sflag:s19], $0x3C00  }
0x43: {  	s21 =	sshrl.u32 s10, $0x2;
	s4 =	sshrl.u32 s4, $0x1;
	[sflag:s19] =	ssyncset.done $0x0  }
0x44: {  	s13 =	smul.u32 $0xFFFFFFF4, s4;
	s11 =	sadd.s32 $0x9, s5;
	[sflag:s19] =	ssyncadd.s32 $0xFFFFC400  }
0x45: {  	s16 =	smul.u32 $0xFFFD0000, s4;
	s10 =	sadd.s32 @!p2 $0x0, s11;
	[bflag:$0x0] =	sbarrier.arrive $0xFFFF  }
0x46: {  	s4 =	sadd.s32 $0x18000, s8;
	s5 =	sadd.s32 $0x6, s5;
	_ =	swait.ge @!p2 [sflag:s10], $0x4000  }
0x47: {  	s11 =	sand.u32 $0x3, s26;
	s13 =	sshra.s32 s13, $0x2;
	[sflag:s10] =	ssyncset.done @!p2 $0x0  }
0x48: {  	s17 =	sadd.s32 $0x5, s13;
	s12 =	rddreg [dreg:$0x5];
	[sflag:s10] =	ssyncadd.s32 @!p2 $0xFFFFC000  }
0x49: {  	s10 =	sand.u32 $0x3, s22;
	s12 =	sadd.s32 @!p3 $0x0, s12;
	p2 =	sle.u32 @!p1 s6, $0x1  }
0x4a: {  	s22 =	simm.s32 @!p3 $0x0;
	s7 =	sshll.u32 @!p3 s10, $0x8;
	s10 =	sadd.s32 @!p3 $0x1, s10  }
0x4b: {  	p2 =	por p2, p1;
	p1 =	sle.u32 s6, $0x1;
	s7 =	sor.u32 @!p3 $0x13C00, s7  }
.Ltmp1:
0x4c: {  	s18 =	sadd.s32 @!p2 $0x1, s11;
	s11 =	sshll.u32 @!p1 s11, $0x8;
	(pc) =	sbr.rel @!p0 .LBB2_5-.Ltmp1, $4  }
0x4d: {  	[tilespmem:s7], [sflag:s10] =	stream.linear.gather @!p3 [hbm4b:s12+s22], $0x100, $0x38;
	v63 =	vld [tilespmem:$0x0]  }
0x4e: {  	s8 =	simm.s32 @!p1 $0x80;
	s22 =	sor.u32 @!p1 $0x13C00, s11;
	_ =	swait.ge @!p2 [sflag:s18], $0x100  }
0x4f: {  	s12 =	sadd.s32 @!p1 $0x0, s5;
	s5 =	sadd.s32 $0x0, s17;
	[sflag:s18] =	ssyncset.done @!p2 $0x0  }
0x50: {  	s11 =	sadd.s32 $0x8, s13;
	s10 =	sshra.s32 s16, $0x2;
	[sflag:s18] =	ssyncadd.s32 @!p2 $0xFFFFFF00  }
.LBB2_4:
0x51: {  	[tilespmem:s4], [sflag:s12] =	stream.indirect.gather @!p1 [hbm4b:s1+s8], $0x80, s22, s8, $0xb8;
	v63 =	vld [tilespmem:$0x0]  }
0x52: {  	s7 =	smov.u32 s26  }
0x53: {  	s22 =	smov.u32 s29;
	s4 =	smov.u32 s30;
	s26 =	sadd.s32 $0x1, s26  }
0x54: {  	s0 =	sadd.s32 s0, s11;
	s18 =	sadd.s32 s10, s25;
	s21 =	sor.u32 $0x13C80, s21  }
0x55: {  	s25 =	smov.u32 s28;
	s10 =	smulhi.u32 $0xAAAAAAAB, s31;
	s28 =	sadd.s32 $0x4000, s28  }
0x56: {  	s29 =	sadd.s32 $0x4, s29;
	s30 =	sadd.s32 $0x4000, s30;
	s31 =	sadd.s32 $0x1, s31  }
0x57: {  	_ =	swait.ge [sflag:s5], $0x4000;
	p0 =	sne.s32 s26, s6;
	p2 =	slt.u32 s7, $0x2  }
0x58: {  	s16 =	smulhi.u32 $0xAAAAAAAB, s7;
	p1 =	seq.s32 s7, $0x0;
	s7 =	sadd.s32 $0x2, s7  }
0x59: {  	[sflag:s5] =	ssyncset.done $0x0;
	s11 =	sshrl.u32 s10, $0x1;
	p3 =	sge.u32 s7, s6  }
0x5a: {  	[sflag:s5] =	ssyncadd.s32 $0xFFFFC000;
	s5 =	smov.u32 s2;
	s12 =	smul.u32 $0xFFFFFFF4, s11  }
0x5b: {  	[spmem:s3] =	stream.indirect.scatter.add.f32 [tilespmem:s18], [sflag:s0], $0x80, s21, s20, $0xb8;
	v63 =	vld [tilespmem:$0x0]  }
0x5c: {  	s8 =	smul.u32 $0xFFFD0000, s11;
	s2 =	sadd.s32 $0x400, s2;
	s13 =	sand.u32 $0xC00, s5  }
0x5d: {  	s0 =	sshra.s32 s22, $0x2;
	s10 =	sshra.s32 s12, $0x2;
	s21 =	sshrl.u32 s13, $0x2  }
0x5e: {  	s12 =	sshra.s32 @!p2 s22, $0x2;
	s8 =	sshra.s32 s8, $0x2;
	s11 =	sadd.s32 $0x9, s10  }
0x5f: {  	s13 =	sand.u32 $0x3, s26;
	s10 =	sadd.s32 $0x6, s10;
	s11 =	sadd.s32 @!p2 s12, s11  }
0x60: {  	s12 =	sshrl.u32 s16, $0x1;
	s16 =	sand.u32 $0x3, s7;
	_ =	swait.ge @!p2 [sflag:s11], $0x4000  }
0x61: {  	s7 =	sadd.s32 $0xFFFFFFFF, s7;
	s17 =	sshll.u32 @!p3 s16, $0x8;
	[sflag:s11] =	ssyncset.done @!p2 $0x0  }
0x62: {  	s16 =	sadd.s32 @!p3 $0x1, s16;
	s18 =	rddreg [dreg:$0x5];
	[sflag:s11] =	ssyncadd.s32 @!p2 $0xFFFFC000  }
0x63: {  	s11 =	smul.u32 $0xFFFFFFF4, s12;
	s5 =	sadd.s32 @!p3 s5, s18;
	p2 =	sge.u32 @!p1 s7, s6  }
0x64: {  	s18 =	smul.u32 $0xFFFD0000, s12;
	s12 =	sor.u32 @!p3 $0x13C00, s17;
	s17 =	simm.s32 @!p3 $0x0  }
0x65: {  	[tilespmem:s12], [sflag:s16] =	stream.linear.gather @!p3 [hbm4b:s5+s17], $0x100, $0x38;
	v63 =	vld [tilespmem:$0x0]  }
0x66: {  	s4 =	sadd.s32 s8, s4;
	p2 =	por p2, p1;
	p1 =	sge.u32 s7, s6  }
.Ltmp2:
0x67: {  	s11 =	sshra.s32 s11, $0x2;
	s16 =	sadd.s32 @!p2 $0x1, s13;
	(pc) =	sbr.rel @p0 .LBB2_4-.Ltmp2, $4  }
0x68: {  	s8 =	simm.s32 @!p1 $0x80;
	s7 =	sshll.u32 @!p1 s13, $0x8;
	s12 =	sshra.s32 @!p1 s22, $0x2  }
0x69: {  	s17 =	sadd.s32 $0x5, s11;
	_ =	swait.ge @!p2 [sflag:s16], $0x100;
	s22 =	sor.u32 @!p1 $0x13C00, s7  }
0x6a: {  	s12 =	sadd.s32 @!p1 s12, s10;
	s11 =	sadd.s32 $0x8, s11;
	[sflag:s16] =	ssyncset.done @!p2 $0x0  }
0x6b: {  	s10 =	sshra.s32 s18, $0x2;
	s5 =	sadd.s32 s0, s17;
	[sflag:s16] =	ssyncadd.s32 @!p2 $0xFFFFFF00  }
.LBB2_5:
0x6c: {  	[tilespmem:s4], [sflag:s12] =	stream.indirect.gather @!p1 [hbm4b:s1+s8], $0x80, s22, s8, $0xb8;
	v63 =	vld [tilespmem:$0x0]  }
0x6d: {  	_ =	swait.ge [sflag:s5], $0x4000  }
0x6e: {  	s0 =	sadd.s32 s0, s11;
	[sflag:s5] =	ssyncset.done $0x0  }
0x6f: {  	s2 =	sadd.s32 s10, s25;
	s26 =	sor.u32 $0x13C80, s21;
	[sflag:s5] =	ssyncadd.s32 $0xFFFFC000  }
0x70: {  	[spmem:s3] =	stream.indirect.scatter.add.f32 [tilespmem:s2], [sflag:s0], $0x80, s26, s20, $0xb8;
	v63 =	vld [tilespmem:$0x0]  }
0x71: {  	_ =	swait.ge [sflag:s14], $0x4000  }
0x72: {  	[sflag:s14] =	ssyncset.done $0x0  }
0x73: {  	[sflag:s14] =	ssyncadd.s32 $0xFFFFC000  }
0x74: {  	_ =	swait.ge [sflag:s15], $0x4000  }
0x75: {  	[sflag:s15] =	ssyncset.done $0x0  }
0x76: {  	[sflag:s15] =	ssyncadd.s32 $0xFFFFC000  }
0x77: {  	[bflag:$0x0] =	sbarrier.arrive $0xFFFF  }
0x78: {  	s28 =	rddreg [dreg:$0x6]  }
0x79: {  	s29 =	sshrl.u32 s9, $0x3;
	s30 =	rddreg [dreg:$0xd];
	s0 =	sor.u32 $0x1C0B, s28  }
0x7a: {  	[hbm:s30], [sflag:s0] =	dma.local [spmem:s29], $0x2780  }
0x7b: {  	_ =	swait.ge [sflag:s19], $0x2780  }
0x7c: {  	s24 =	sadd.s32 $0x1, s24;
	s31 =	rddreg [dreg:$0xe]  }
0x7d: {  	p0 =	sne.s32 s24, s31  }
.Ltmp3:
0x7e: {  	_ = 	snop;
	(pc) =	sbr.rel @p0 .LBB2_1-.Ltmp3, $3  }
0x7f: {  	_ =	sdelay $0x1  }
0x80: {  	[sflag:s19] =	ssyncset.done $0x0  }
0x81: {  	[sflag:s19] =	ssyncadd.s32 $0xFFFFD880  }
0x82: {  	_ =	sfence.sel $0x180000  }
0x83: {  	[bflag:$0x0] =	sbarrier.arrive $0xFFFF  }
0x84: {  	_ =	strace $0x9000004A  }
0x85: {  	s0 =	stileid.u32;
	[bflag:$0x2] =	sbarrier.arrive $0xFFFF  }
0x86: {  	p0 =	sne.s32 s0, $0x0;
	s0 =	rddreg [dreg:$0x4]  }
0x87: {  	s0 =	sadd.s32 @!p0 $0x100000, s0  }
0x88: {  	[sflag:s0] =	ssyncadd.tile.s32 @!p0 $0x1;
	_ =	shalt  }
.Lfunc_end2:
_tile_overlayer_lowered:
.L_overlay_start_2:
0x89: {  	(tag) =	ssettag $0x2  }
0x8a: {  	s0 =	rddreg [dreg:$0x0];
	s2 =	stileid.u32  }
0x8b: {  	s1 =	rddreg [dreg:$0x1];
	p0 =	sne.s32 s2, $0x0  }
0x8c: {  	s3 =	rddreg [dreg:$0x2];
	[bflag:$0x3] =	sbarrier.arrive $0xFFFF;
	s2 =	simm.s32 @!p0 $0x1C0B  }
0x8d: {  	[timem:s3], [sflag:s2] =	dma.local @!p0 [hbm:s0], s1  }
0x8e: {  	s0 =	simm.s32 @!p0 $0xB  }
0x8f: {  	_ =	swait.ge @!p0 [sflag:s0], s1  }
0x90: {  	s1 =	ssub.s32 @!p0 $0x0, s1;
	[sflag:s0] =	ssyncset.done @!p0 $0x0  }
0x91: {  	[sflag:s0] =	ssyncadd.s32 @!p0 s1  }
0x92: {  	[bflag:$0x3] =	sbarrier.arrive $0xFFFF  }
0x93: {  	_ =	shalt  }

</sc_bundles>
